<compile_context>
chip_gen: v7x
topology: tpu7x:2x2x1
jax: 0.10.2.dev20260603
libtpu: 0.0.44.dev20260713+nightly
codegen_flags: <defaults>
</compile_context>

<pallas_src>
import functools

import jax
import jax.numpy as jnp
from jax import lax
from jax.experimental import pallas as pl
from jax.experimental.pallas import tpu as pltpu
from jax.experimental.pallas import tpu_sc as plsc

_D = 64
_TOK_V = 100000
_PHR_V = 8192
_CBLK = 8192
_FAST_CBLOCKS = 13
_SLOW_BASE = _FAST_CBLOCKS * _CBLK
_COMB_ROWS = _SLOW_BASE + _PHR_V


def _normalize_body(fast_ref, slow_ref, out_ref):
    i = pl.program_id(0)

    def norm_cols(x):
        s = jnp.sum(x * x, axis=0, keepdims=True)
        y = x * (1.0 / (jnp.sqrt(s) + 1e-8))
        return jnp.concatenate(
            [y[:, : _CBLK // 2].T, y[:, _CBLK // 2 :].T], axis=-1)

    @pl.when(i < _FAST_CBLOCKS)
    def _():
        out_ref[...] = norm_cols(fast_ref[...])

    @pl.when(i >= _FAST_CBLOCKS)
    def _():
        out_ref[...] = norm_cols(slow_ref[...])


def _normalize_tables(fast_t, slow_t):
    grid = _COMB_ROWS // _CBLK
    return pl.pallas_call(
        _normalize_body,
        grid=(grid,),
        in_specs=[
            pl.BlockSpec((_D, _CBLK),
                         lambda i: (0, jnp.minimum(i, _FAST_CBLOCKS - 1))),
            pl.BlockSpec((_D, _CBLK),
                         lambda i: (0, jnp.clip(i - _FAST_CBLOCKS, 0, 0))),
        ],
        out_specs=pl.BlockSpec((_CBLK // 2, 2 * _D), lambda i: (i, 0)),
        out_shape=jax.ShapeDtypeStruct((_COMB_ROWS // 2, 2 * _D), jnp.float32),
    )(fast_t, slow_t)


def _make_gather(n_rows: int):
    info = plsc.get_sparse_core_info()
    nc, ns = info.num_cores, info.num_subcores
    nw = nc * ns
    chunk = 128
    rows_w = n_rows // (nw * chunk)
    slots = 10
    n_it = rows_w // slots
    per_w = rows_w * chunk

    mesh = plsc.VectorSubcoreMesh(core_axis_name="c", subcore_axis_name="s")

    @functools.partial(
        pl.kernel,
        mesh=mesh,
        out_type=jax.ShapeDtypeStruct((n_rows, _D), jnp.float32),
        compiler_params=pltpu.CompilerParams(use_tc_tiling_on_sc=False),
        scratch_types=[
            pltpu.VMEM((rows_w, chunk), jnp.int32),
            pltpu.VMEM((slots * chunk, _D), jnp.float32),
            pltpu.SemaphoreType.DMA((slots,)),
            pltpu.SemaphoreType.DMA((slots,)),
        ],
    )
    def gather_k(table_hbm, idx_hbm, out_hbm, idx_v, buf, gsem, wsem):
        wid = lax.axis_index("s") * nc + lax.axis_index("c")
        base0 = wid * per_w
        pltpu.sync_copy(idx_hbm.at[pl.ds(wid * rows_w, rows_w)], idx_v)

        def slot_buf(b):
            return buf.at[pl.ds(b * chunk, chunk)]

        def body(t, carry):
            cps = []
            for b in range(slots):
                @pl.when(t > 0)
                def _(b=b):
                    pltpu.make_async_copy(
                        slot_buf(b), out_hbm.at[pl.ds(base0, chunk)],
                        wsem.at[b]).wait()
                cps.append(pltpu.async_copy(
                    table_hbm.at[idx_v.at[t * slots + b]],
                    slot_buf(b), gsem.at[b]))
            for b in range(slots):
                cps[b].wait()
                pltpu.async_copy(
                    slot_buf(b),
                    out_hbm.at[pl.ds(base0 + (t * slots + b) * chunk, chunk)],
                    wsem.at[b])
            return carry

        lax.fori_loop(0, n_it, body, 0)
        for b in range(slots):
            pltpu.make_async_copy(
                slot_buf(b), out_hbm.at[pl.ds(base0, chunk)],
                wsem.at[b]).wait()

    return gather_k


def kernel(token_ids, phrase_ids, fast_table, slow_table):
    b, l = token_ids.shape
    n = b * l
    tok3 = token_ids.T.reshape(2 * n // 128, 64).astype(jnp.int32)
    phr3 = phrase_ids.T.reshape(2 * n // 128, 64).astype(jnp.int32)
    lane = jax.lax.broadcasted_iota(jnp.int32, (2 * n // 128, 128), 1)
    v = jnp.where(
        lane % 2 == 0,
        jnp.repeat(tok3, 2, axis=1),
        jnp.repeat(phr3 + jnp.int32(_SLOW_BASE), 2, axis=1),
    )
    half = _CBLK // 2
    idx2 = (v & ~(_CBLK - 1)) + (v & (half - 1)) * 2 + ((v // half) & 1)

    comb = _normalize_tables(fast_table.T, slow_table.T).reshape(_COMB_ROWS, _D)
    out = _make_gather(2 * n)(comb, idx2)
    return out.reshape(l, b, 2 * _D).transpose(1, 0, 2)

# --- scband reference (transcript-rebuilt; emitter-appended) ---
"""Pipeline reference for scband-hierarchical-proto-embedder-9225589751950 (READ-ONLY COPY).

The authoritative reference and input builder live on the scoring server;
editing this copy changes nothing except your own understanding.
"""

import jax, jax.numpy as jnp
import numpy as np

D_FAST = 64
D_SLOW = 64
TOK_VOCAB = 100000
PHRASE_VOCAB = 8192
B, L = 4096, 50


def _unit_norm(x, eps=1e-8):
    n = jnp.linalg.norm(x, axis=-1, keepdims=True)
    return x / (n + eps)


def setup_inputs(seed: int = 0) -> dict:
    key = jax.random.key(seed)
    k1, k2, k3, k4 = jax.random.split(key, 4)
    token_ids = jax.random.randint(k1, (B, L), 0, TOK_VOCAB, dtype=jnp.int64)
    phrase_ids = jax.random.randint(k2, (B, L), 0, PHRASE_VOCAB, dtype=jnp.int64)
    fast_table = jax.random.normal(k3, (TOK_VOCAB, D_FAST), dtype=jnp.float32)
    slow_table = jax.random.normal(k4, (PHRASE_VOCAB, D_SLOW), dtype=jnp.float32)
    return {
        "token_ids": token_ids,
        "phrase_ids": phrase_ids,
        "fast_table": fast_table,
        "slow_table": slow_table,
    }


def reference(token_ids, phrase_ids, fast_table, slow_table):
    # Level 0 (fast): token-level unit-norm signals in D_fast
    pid = jnp.mod(phrase_ids, PHRASE_VOCAB)
    uf = jnp.take(fast_table, token_ids, axis=0)
    uf = _unit_norm(uf)
    # Level 1 (slow): phrase-level unit-norm signals in D_slow
    us = jnp.take(slow_table, pid, axis=0)
    us = _unit_norm(us)
    # Combined injection: concat(u_fast, u_slow) in R^{state_dim}
    return jnp.concatenate([uf, us], axis=-1)

if __name__ == "__main__":
    import jax
    _d = setup_inputs()
    print(jax.jit(kernel)(*tuple(_d.values())))

</pallas_src>

<mosaic_0001>
#map = affine_map<(d0, d1) -> (0, 0)>
module attributes {stable_mosaic.version = 14 : i64} {
  func.func @gather_k(%arg0: i32, %arg1: i32, %arg2: memref<114688x64xf32, #tpu.memory_space<hbm>>, %arg3: memref<3200x128xi32, #tpu.memory_space<hbm>>, %arg4: memref<409600x64xf32, #tpu.memory_space<hbm>>, %arg5: memref<100x128xi32, #tpu.memory_space<vmem>>, %arg6: memref<1280x64xf32, #tpu.memory_space<vmem>>, %arg7: memref<10x!tpu.dma_semaphore, #tpu.memory_space<semaphore_mem>>, %arg8: memref<10x!tpu.dma_semaphore, #tpu.memory_space<semaphore_mem>>) attributes {dimension_semantics = [#tpu.dimension_semantics<core_parallel>, #tpu.dimension_semantics<subcore_parallel>], iteration_bounds = array<i64: 2, 16>, scalar_prefetch = 0 : i64, scratch_operands = 4 : i64, tpu.core_type = #tpu.core_type<sc_vector_subcore>, window_params = [{transform_indices = #map}, {transform_indices = #map}, {transform_indices = #map}]} {
    %mul3A = arith.constant 2 : i32
    %mul3A_0 = arith.muli %arg1, %mul3A : i32
    %add3A = arith.addi %mul3A_0, %arg0 : i32
    %mul3A_1 = arith.constant 12800 : i32
    %mul3A_2 = arith.muli %add3A, %mul3A_1 : i32
    %mul3A_3 = arith.constant 100 : i32
    %mul3A_4 = arith.muli %add3A, %mul3A_3 : i32
    "tpu.region"() ({
      %run_scoped3A = tpu.sem_alloc : memref<!tpu.dma_semaphore, #tpu.memory_space<semaphore_mem>>
      %dma_start3A = arith.constant 0 : i32
      %dma_start3A_139 = tpu.memref_slice %arg3[%mul3A_4, %dma_start3A] : memref<3200x128xi32, #tpu.memory_space<hbm>> -> memref<100x128xi32, #tpu.memory_space<hbm>>
      %dma_start3A_140 = arith.constant 0 : i32
      %dma_start3A_141 = tpu.memref_slice %arg3[%mul3A_4, %dma_start3A_140] : memref<3200x128xi32, #tpu.memory_space<hbm>> -> memref<100x128xi32, #tpu.memory_space<hbm>>
      tpu.enqueue_dma source(%dma_start3A_141 : memref<100x128xi32, #tpu.memory_space<hbm>>) target(%arg5 : memref<100x128xi32, #tpu.memory_space<vmem>>) target_semaphore(%run_scoped3A : memref<!tpu.dma_semaphore, #tpu.memory_space<semaphore_mem>>)
      %dma_wait3A_142 = arith.constant 0 : i32
      %dma_wait3A_143 = tpu.memref_slice %arg3[%mul3A_4, %dma_wait3A_142] : memref<3200x128xi32, #tpu.memory_space<hbm>> -> memref<100x128xi32, #tpu.memory_space<hbm>>
      %dma_wait3A_144 = arith.constant 0 : i32
      %dma_wait3A_145 = tpu.memref_slice %arg3[%mul3A_4, %dma_wait3A_144] : memref<3200x128xi32, #tpu.memory_space<hbm>> -> memref<100x128xi32, #tpu.memory_space<hbm>>
      tpu.wait_dma2 semaphore(%run_scoped3A : memref<!tpu.dma_semaphore, #tpu.memory_space<semaphore_mem>>) src(%dma_wait3A_145 : memref<100x128xi32, #tpu.memory_space<hbm>>) dst(%arg5 : memref<100x128xi32, #tpu.memory_space<vmem>>)
      tpu.yield
    }) : () -> ()
    %scan3A = arith.constant 0 : i32
    %scan3A_5 = arith.constant 0 : i32
    %scan3A_6 = arith.constant 10 : i32
    %scan3A_7 = arith.addi %scan3A_5, %scan3A_6 : i32
    %scan3A_8 = arith.constant 1 : i32
    scf.for %scan3A_139 = %scan3A_5 to %scan3A_7 step %scan3A_8  : i32 {
      %gt3A = arith.constant 0 : i32
      %gt3A_140 = arith.cmpi sgt, %scan3A_139, %gt3A : i32
      %convert_element_type3A = arith.extui %gt3A_140 : i1 to i32
      %cond3A = arith.constant 0 : i32
      %cond3A_141 = arith.cmpi ne, %convert_element_type3A, %cond3A : i32
      scf.if %cond3A_141 {
        %dma_wait3A_666 = arith.constant 0 : i32
        %dma_wait3A_667 = arith.constant 0 : i32
        %dma_wait3A_668 = arith.constant 0 : i32
        %dma_wait3A_669 = tpu.memref_slice %arg6[%dma_wait3A_667, %dma_wait3A_668] : memref<1280x64xf32, #tpu.memory_space<vmem>> -> memref<128x64xf32, #tpu.memory_space<vmem>>
        %dma_wait3A_670 = arith.constant 0 : i32
        %dma_wait3A_671 = tpu.memref_slice %arg4[%mul3A_2, %dma_wait3A_670] : memref<409600x64xf32, #tpu.memory_space<hbm>> -> memref<128x64xf32, #tpu.memory_space<hbm>>
        %dma_wait3A_672 = tpu.memref_slice %arg8[%dma_wait3A_666] : memref<10x!tpu.dma_semaphore, #tpu.memory_space<semaphore_mem>> -> memref<1x!tpu.dma_semaphore, #tpu.memory_space<semaphore_mem>>
        %dma_wait3A_673 = tpu.memref_squeeze %dma_wait3A_672 : memref<1x!tpu.dma_semaphore, #tpu.memory_space<semaphore_mem>> -> memref<!tpu.dma_semaphore, #tpu.memory_space<semaphore_mem>>
        %dma_wait3A_674 = arith.constant 0 : i32
        %dma_wait3A_675 = tpu.memref_slice %arg4[%mul3A_2, %dma_wait3A_674] : memref<409600x64xf32, #tpu.memory_space<hbm>> -> memref<128x64xf32, #tpu.memory_space<hbm>>
        %dma_wait3A_676 = arith.constant 0 : i32
        %dma_wait3A_677 = arith.constant 0 : i32
        %dma_wait3A_678 = tpu.memref_slice %arg6[%dma_wait3A_676, %dma_wait3A_677] : memref<1280x64xf32, #tpu.memory_space<vmem>> -> memref<128x64xf32, #tpu.memory_space<vmem>>
        tpu.wait_dma2 semaphore(%dma_wait3A_673 : memref<!tpu.dma_semaphore, #tpu.memory_space<semaphore_mem>>) src(%dma_wait3A_678 : memref<128x64xf32, #tpu.memory_space<vmem>>) dst(%dma_wait3A_675 : memref<128x64xf32, #tpu.memory_space<hbm>>)
      } else {
      }
      %mul3A_142 = arith.constant 10 : i32
      %mul3A_143 = arith.muli %scan3A_139, %mul3A_142 : i32
      %add3A_144 = arith.constant 0 : i32
      %add3A_145 = arith.addi %mul3A_143, %add3A_144 : i32
      %dma_start3A = arith.constant 0 : i32
      %dma_start3A_146 = arith.constant 0 : i32
      %dma_start3A_147 = arith.constant 0 : i32
      %dma_start3A_148 = tpu.memref_slice %arg6[%dma_start3A_146, %dma_start3A_147] : memref<1280x64xf32, #tpu.memory_space<vmem>> -> memref<128x64xf32, #tpu.memory_space<vmem>>
      %dma_start3A_149 = arith.constant 0 : i32
      %dma_start3A_150 = tpu.memref_slice %arg5[%add3A_145, %dma_start3A_149] : memref<100x128xi32, #tpu.memory_space<vmem>> -> memref<1x128xi32, #tpu.memory_space<vmem>>
      %dma_start3A_151 = tpu.memref_squeeze %dma_start3A_150 : memref<1x128xi32, #tpu.memory_space<vmem>> -> memref<128xi32, #tpu.memory_space<vmem>>
      %dma_start3A_152 = arith.constant 0 : i32
      %dma_start3A_153 = arith.constant 0 : i32
      %dma_start3A_154 = tpu.memref_slice %arg2[%dma_start3A_152, %dma_start3A_153] : memref<114688x64xf32, #tpu.memory_space<hbm>> -> memref<114688x64xf32, #tpu.memory_space<hbm>>
      %dma_start3A_155 = tpu.memref_slice %arg7[%dma_start3A] : memref<10x!tpu.dma_semaphore, #tpu.memory_space<semaphore_mem>> -> memref<1x!tpu.dma_semaphore, #tpu.memory_space<semaphore_mem>>
      %dma_start3A_156 = tpu.memref_squeeze %dma_start3A_155 : memref<1x!tpu.dma_semaphore, #tpu.memory_space<semaphore_mem>> -> memref<!tpu.dma_semaphore, #tpu.memory_space<semaphore_mem>>
      tpu.enqueue_indirect_dma source(%dma_start3A_154 : memref<114688x64xf32, #tpu.memory_space<hbm>>) target(%dma_start3A_148 : memref<128x64xf32, #tpu.memory_space<vmem>>) offsets(%dma_start3A_151 : memref<128xi32, #tpu.memory_space<vmem>>) semaphore(%dma_start3A_156 : memref<!tpu.dma_semaphore, #tpu.memory_space<semaphore_mem>>)
      %gt3A_157 = arith.constant 0 : i32
      %gt3A_158 = arith.cmpi sgt, %scan3A_139, %gt3A_157 : i32
      %convert_element_type3A_159 = arith.extui %gt3A_158 : i1 to i32
      %cond3A_160 = arith.constant 0 : i32
      %cond3A_161 = arith.cmpi ne, %convert_element_type3A_159, %cond3A_160 : i32
      scf.if %cond3A_161 {
        %dma_wait3A_666 = arith.constant 1 : i32
        %dma_wait3A_667 = arith.constant 128 : i32
        %dma_wait3A_668 = arith.constant 0 : i32
        %dma_wait3A_669 = tpu.memref_slice %arg6[%dma_wait3A_667, %dma_wait3A_668] : memref<1280x64xf32, #tpu.memory_space<vmem>> -> memref<128x64xf32, #tpu.memory_space<vmem>>
        %dma_wait3A_670 = arith.constant 0 : i32
        %dma_wait3A_671 = tpu.memref_slice %arg4[%mul3A_2, %dma_wait3A_670] : memref<409600x64xf32, #tpu.memory_space<hbm>> -> memref<128x64xf32, #tpu.memory_space<hbm>>
        %dma_wait3A_672 = tpu.memref_slice %arg8[%dma_wait3A_666] : memref<10x!tpu.dma_semaphore, #tpu.memory_space<semaphore_mem>> -> memref<1x!tpu.dma_semaphore, #tpu.memory_space<semaphore_mem>>
        %dma_wait3A_673 = tpu.memref_squeeze %dma_wait3A_672 : memref<1x!tpu.dma_semaphore, #tpu.memory_space<semaphore_mem>> -> memref<!tpu.dma_semaphore, #tpu.memory_space<semaphore_mem>>
        %dma_wait3A_674 = arith.constant 0 : i32
        %dma_wait3A_675 = tpu.memref_slice %arg4[%mul3A_2, %dma_wait3A_674] : memref<409600x64xf32, #tpu.memory_space<hbm>> -> memref<128x64xf32, #tpu.memory_space<hbm>>
        %dma_wait3A_676 = arith.constant 128 : i32
        %dma_wait3A_677 = arith.constant 0 : i32
        %dma_wait3A_678 = tpu.memref_slice %arg6[%dma_wait3A_676, %dma_wait3A_677] : memref<1280x64xf32, #tpu.memory_space<vmem>> -> memref<128x64xf32, #tpu.memory_space<vmem>>
        tpu.wait_dma2 semaphore(%dma_wait3A_673 : memref<!tpu.dma_semaphore, #tpu.memory_space<semaphore_mem>>) src(%dma_wait3A_678 : memref<128x64xf32, #tpu.memory_space<vmem>>) dst(%dma_wait3A_675 : memref<128x64xf32, #tpu.memory_space<hbm>>)
      } else {
      }
      %mul3A_162 = arith.constant 10 : i32
      %mul3A_163 = arith.muli %scan3A_139, %mul3A_162 : i32
      %add3A_164 = arith.constant 1 : i32
      %add3A_165 = arith.addi %mul3A_163, %add3A_164 : i32
      %dma_start3A_166 = arith.constant 1 : i32
      %dma_start3A_167 = arith.constant 128 : i32
      %dma_start3A_168 = arith.constant 0 : i32
      %dma_start3A_169 = tpu.memref_slice %arg6[%dma_start3A_167, %dma_start3A_168] : memref<1280x64xf32, #tpu.memory_space<vmem>> -> memref<128x64xf32, #tpu.memory_space<vmem>>
      %dma_start3A_170 = arith.constant 0 : i32
      %dma_start3A_171 = tpu.memref_slice %arg5[%add3A_165, %dma_start3A_170] : memref<100x128xi32, #tpu.memory_space<vmem>> -> memref<1x128xi32, #tpu.memory_space<vmem>>
      %dma_start3A_172 = tpu.memref_squeeze %dma_start3A_171 : memref<1x128xi32, #tpu.memory_space<vmem>> -> memref<128xi32, #tpu.memory_space<vmem>>
      %dma_start3A_173 = arith.constant 0 : i32
      %dma_start3A_174 = arith.constant 0 : i32
      %dma_start3A_175 = tpu.memref_slice %arg2[%dma_start3A_173, %dma_start3A_174] : memref<114688x64xf32, #tpu.memory_space<hbm>> -> memref<114688x64xf32, #tpu.memory_space<hbm>>
      %dma_start3A_176 = tpu.memref_slice %arg7[%dma_start3A_166] : memref<10x!tpu.dma_semaphore, #tpu.memory_space<semaphore_mem>> -> memref<1x!tpu.dma_semaphore, #tpu.memory_space<semaphore_mem>>
      %dma_start3A_177 = tpu.memref_squeeze %dma_start3A_176 : memref<1x!tpu.dma_semaphore, #tpu.memory_space<semaphore_mem>> -> memref<!tpu.dma_semaphore, #tpu.memory_space<semaphore_mem>>
      tpu.enqueue_indirect_dma source(%dma_start3A_175 : memref<114688x64xf32, #tpu.memory_space<hbm>>) target(%dma_start3A_169 : memref<128x64xf32, #tpu.memory_space<vmem>>) offsets(%dma_start3A_172 : memref<128xi32, #tpu.memory_space<vmem>>) semaphore(%dma_start3A_177 : memref<!tpu.dma_semaphore, #tpu.memory_space<semaphore_mem>>)
      %gt3A_178 = arith.constant 0 : i32
      %gt3A_179 = arith.cmpi sgt, %scan3A_139, %gt3A_178 : i32
      %convert_element_type3A_180 = arith.extui %gt3A_179 : i1 to i32
      %cond3A_181 = arith.constant 0 : i32
      %cond3A_182 = arith.cmpi ne, %convert_element_type3A_180, %cond3A_181 : i32
      scf.if %cond3A_182 {
        %dma_wait3A_666 = arith.constant 2 : i32
        %dma_wait3A_667 = arith.constant 256 : i32
        %dma_wait3A_668 = arith.constant 0 : i32
        %dma_wait3A_669 = tpu.memref_slice %arg6[%dma_wait3A_667, %dma_wait3A_668] : memref<1280x64xf32, #tpu.memory_space<vmem>> -> memref<128x64xf32, #tpu.memory_space<vmem>>
        %dma_wait3A_670 = arith.constant 0 : i32
        %dma_wait3A_671 = tpu.memref_slice %arg4[%mul3A_2, %dma_wait3A_670] : memref<409600x64xf32, #tpu.memory_space<hbm>> -> memref<128x64xf32, #tpu.memory_space<hbm>>
        %dma_wait3A_672 = tpu.memref_slice %arg8[%dma_wait3A_666] : memref<10x!tpu.dma_semaphore, #tpu.memory_space<semaphore_mem>> -> memref<1x!tpu.dma_semaphore, #tpu.memory_space<semaphore_mem>>
        %dma_wait3A_673 = tpu.memref_squeeze %dma_wait3A_672 : memref<1x!tpu.dma_semaphore, #tpu.memory_space<semaphore_mem>> -> memref<!tpu.dma_semaphore, #tpu.memory_space<semaphore_mem>>
        %dma_wait3A_674 = arith.constant 0 : i32
        %dma_wait3A_675 = tpu.memref_slice %arg4[%mul3A_2, %dma_wait3A_674] : memref<409600x64xf32, #tpu.memory_space<hbm>> -> memref<128x64xf32, #tpu.memory_space<hbm>>
        %dma_wait3A_676 = arith.constant 256 : i32
        %dma_wait3A_677 = arith.constant 0 : i32
        %dma_wait3A_678 = tpu.memref_slice %arg6[%dma_wait3A_676, %dma_wait3A_677] : memref<1280x64xf32, #tpu.memory_space<vmem>> -> memref<128x64xf32, #tpu.memory_space<vmem>>
        tpu.wait_dma2 semaphore(%dma_wait3A_673 : memref<!tpu.dma_semaphore, #tpu.memory_space<semaphore_mem>>) src(%dma_wait3A_678 : memref<128x64xf32, #tpu.memory_space<vmem>>) dst(%dma_wait3A_675 : memref<128x64xf32, #tpu.memory_space<hbm>>)
      } else {
      }
      %mul3A_183 = arith.constant 10 : i32
      %mul3A_184 = arith.muli %scan3A_139, %mul3A_183 : i32
      %add3A_185 = arith.constant 2 : i32
      %add3A_186 = arith.addi %mul3A_184, %add3A_185 : i32
      %dma_start3A_187 = arith.constant 2 : i32
      %dma_start3A_188 = arith.constant 256 : i32
      %dma_start3A_189 = arith.constant 0 : i32
      %dma_start3A_190 = tpu.memref_slice %arg6[%dma_start3A_188, %dma_start3A_189] : memref<1280x64xf32, #tpu.memory_space<vmem>> -> memref<128x64xf32, #tpu.memory_space<vmem>>
      %dma_start3A_191 = arith.constant 0 : i32
      %dma_start3A_192 = tpu.memref_slice %arg5[%add3A_186, %dma_start3A_191] : memref<100x128xi32, #tpu.memory_space<vmem>> -> memref<1x128xi32, #tpu.memory_space<vmem>>
      %dma_start3A_193 = tpu.memref_squeeze %dma_start3A_192 : memref<1x128xi32, #tpu.memory_space<vmem>> -> memref<128xi32, #tpu.memory_space<vmem>>
      %dma_start3A_194 = arith.constant 0 : i32
      %dma_start3A_195 = arith.constant 0 : i32
      %dma_start3A_196 = tpu.memref_slice %arg2[%dma_start3A_194, %dma_start3A_195] : memref<114688x64xf32, #tpu.memory_space<hbm>> -> memref<114688x64xf32, #tpu.memory_space<hbm>>
      %dma_start3A_197 = tpu.memref_slice %arg7[%dma_start3A_187] : memref<10x!tpu.dma_semaphore, #tpu.memory_space<semaphore_mem>> -> memref<1x!tpu.dma_semaphore, #tpu.memory_space<semaphore_mem>>
      %dma_start3A_198 = tpu.memref_squeeze %dma_start3A_197 : memref<1x!tpu.dma_semaphore, #tpu.memory_space<semaphore_mem>> -> memref<!tpu.dma_semaphore, #tpu.memory_space<semaphore_mem>>
      tpu.enqueue_indirect_dma source(%dma_start3A_196 : memref<114688x64xf32, #tpu.memory_space<hbm>>) target(%dma_start3A_190 : memref<128x64xf32, #tpu.memory_space<vmem>>) offsets(%dma_start3A_193 : memref<128xi32, #tpu.memory_space<vmem>>) semaphore(%dma_start3A_198 : memref<!tpu.dma_semaphore, #tpu.memory_space<semaphore_mem>>)
      %gt3A_199 = arith.constant 0 : i32
      %gt3A_200 = arith.cmpi sgt, %scan3A_139, %gt3A_199 : i32
      %convert_element_type3A_201 = arith.extui %gt3A_200 : i1 to i32
      %cond3A_202 = arith.constant 0 : i32
      %cond3A_203 = arith.cmpi ne, %convert_element_type3A_201, %cond3A_202 : i32
      scf.if %cond3A_203 {
        %dma_wait3A_666 = arith.constant 3 : i32
        %dma_wait3A_667 = arith.constant 384 : i32
        %dma_wait3A_668 = arith.constant 0 : i32
        %dma_wait3A_669 = tpu.memref_slice %arg6[%dma_wait3A_667, %dma_wait3A_668] : memref<1280x64xf32, #tpu.memory_space<vmem>> -> memref<128x64xf32, #tpu.memory_space<vmem>>
        %dma_wait3A_670 = arith.constant 0 : i32
        %dma_wait3A_671 = tpu.memref_slice %arg4[%mul3A_2, %dma_wait3A_670] : memref<409600x64xf32, #tpu.memory_space<hbm>> -> memref<128x64xf32, #tpu.memory_space<hbm>>
        %dma_wait3A_672 = tpu.memref_slice %arg8[%dma_wait3A_666] : memref<10x!tpu.dma_semaphore, #tpu.memory_space<semaphore_mem>> -> memref<1x!tpu.dma_semaphore, #tpu.memory_space<semaphore_mem>>
        %dma_wait3A_673 = tpu.memref_squeeze %dma_wait3A_672 : memref<1x!tpu.dma_semaphore, #tpu.memory_space<semaphore_mem>> -> memref<!tpu.dma_semaphore, #tpu.memory_space<semaphore_mem>>
        %dma_wait3A_674 = arith.constant 0 : i32
        %dma_wait3A_675 = tpu.memref_slice %arg4[%mul3A_2, %dma_wait3A_674] : memref<409600x64xf32, #tpu.memory_space<hbm>> -> memref<128x64xf32, #tpu.memory_space<hbm>>
        %dma_wait3A_676 = arith.constant 384 : i32
        %dma_wait3A_677 = arith.constant 0 : i32
        %dma_wait3A_678 = tpu.memref_slice %arg6[%dma_wait3A_676, %dma_wait3A_677] : memref<1280x64xf32, #tpu.memory_space<vmem>> -> memref<128x64xf32, #tpu.memory_space<vmem>>
        tpu.wait_dma2 semaphore(%dma_wait3A_673 : memref<!tpu.dma_semaphore, #tpu.memory_space<semaphore_mem>>) src(%dma_wait3A_678 : memref<128x64xf32, #tpu.memory_space<vmem>>) dst(%dma_wait3A_675 : memref<128x64xf32, #tpu.memory_space<hbm>>)
      } else {
      }
      %mul3A_204 = arith.constant 10 : i32
      %mul3A_205 = arith.muli %scan3A_139, %mul3A_204 : i32
      %add3A_206 = arith.constant 3 : i32
      %add3A_207 = arith.addi %mul3A_205, %add3A_206 : i32
      %dma_start3A_208 = arith.constant 3 : i32
      %dma_start3A_209 = arith.constant 384 : i32
      %dma_start3A_210 = arith.constant 0 : i32
      %dma_start3A_211 = tpu.memref_slice %arg6[%dma_start3A_209, %dma_start3A_210] : memref<1280x64xf32, #tpu.memory_space<vmem>> -> memref<128x64xf32, #tpu.memory_space<vmem>>
      %dma_start3A_212 = arith.constant 0 : i32
      %dma_start3A_213 = tpu.memref_slice %arg5[%add3A_207, %dma_start3A_212] : memref<100x128xi32, #tpu.memory_space<vmem>> -> memref<1x128xi32, #tpu.memory_space<vmem>>
      %dma_start3A_214 = tpu.memref_squeeze %dma_start3A_213 : memref<1x128xi32, #tpu.memory_space<vmem>> -> memref<128xi32, #tpu.memory_space<vmem>>
      %dma_start3A_215 = arith.constant 0 : i32
      %dma_start3A_216 = arith.constant 0 : i32
      %dma_start3A_217 = tpu.memref_slice %arg2[%dma_start3A_215, %dma_start3A_216] : memref<114688x64xf32, #tpu.memory_space<hbm>> -> memref<114688x64xf32, #tpu.memory_space<hbm>>
      %dma_start3A_218 = tpu.memref_slice %arg7[%dma_start3A_208] : memref<10x!tpu.dma_semaphore, #tpu.memory_space<semaphore_mem>> -> memref<1x!tpu.dma_semaphore, #tpu.memory_space<semaphore_mem>>
      %dma_start3A_219 = tpu.memref_squeeze %dma_start3A_218 : memref<1x!tpu.dma_semaphore, #tpu.memory_space<semaphore_mem>> -> memref<!tpu.dma_semaphore, #tpu.memory_space<semaphore_mem>>
      tpu.enqueue_indirect_dma source(%dma_start3A_217 : memref<114688x64xf32, #tpu.memory_space<hbm>>) target(%dma_start3A_211 : memref<128x64xf32, #tpu.memory_space<vmem>>) offsets(%dma_start3A_214 : memref<128xi32, #tpu.memory_space<vmem>>) semaphore(%dma_start3A_219 : memref<!tpu.dma_semaphore, #tpu.memory_space<semaphore_mem>>)
      %gt3A_220 = arith.constant 0 : i32
      %gt3A_221 = arith.cmpi sgt, %scan3A_139, %gt3A_220 : i32
      %convert_element_type3A_222 = arith.extui %gt3A_221 : i1 to i32
      %cond3A_223 = arith.constant 0 : i32
      %cond3A_224 = arith.cmpi ne, %convert_element_type3A_222, %cond3A_223 : i32
      scf.if %cond3A_224 {
        %dma_wait3A_666 = arith.constant 4 : i32
        %dma_wait3A_667 = arith.constant 512 : i32
        %dma_wait3A_668 = arith.constant 0 : i32
        %dma_wait3A_669 = tpu.memref_slice %arg6[%dma_wait3A_667, %dma_wait3A_668] : memref<1280x64xf32, #tpu.memory_space<vmem>> -> memref<128x64xf32, #tpu.memory_space<vmem>>
        %dma_wait3A_670 = arith.constant 0 : i32
        %dma_wait3A_671 = tpu.memref_slice %arg4[%mul3A_2, %dma_wait3A_670] : memref<409600x64xf32, #tpu.memory_space<hbm>> -> memref<128x64xf32, #tpu.memory_space<hbm>>
        %dma_wait3A_672 = tpu.memref_slice %arg8[%dma_wait3A_666] : memref<10x!tpu.dma_semaphore, #tpu.memory_space<semaphore_mem>> -> memref<1x!tpu.dma_semaphore, #tpu.memory_space<semaphore_mem>>
        %dma_wait3A_673 = tpu.memref_squeeze %dma_wait3A_672 : memref<1x!tpu.dma_semaphore, #tpu.memory_space<semaphore_mem>> -> memref<!tpu.dma_semaphore, #tpu.memory_space<semaphore_mem>>
        %dma_wait3A_674 = arith.constant 0 : i32
        %dma_wait3A_675 = tpu.memref_slice %arg4[%mul3A_2, %dma_wait3A_674] : memref<409600x64xf32, #tpu.memory_space<hbm>> -> memref<128x64xf32, #tpu.memory_space<hbm>>
        %dma_wait3A_676 = arith.constant 512 : i32
        %dma_wait3A_677 = arith.constant 0 : i32
        %dma_wait3A_678 = tpu.memref_slice %arg6[%dma_wait3A_676, %dma_wait3A_677] : memref<1280x64xf32, #tpu.memory_space<vmem>> -> memref<128x64xf32, #tpu.memory_space<vmem>>
        tpu.wait_dma2 semaphore(%dma_wait3A_673 : memref<!tpu.dma_semaphore, #tpu.memory_space<semaphore_mem>>) src(%dma_wait3A_678 : memref<128x64xf32, #tpu.memory_space<vmem>>) dst(%dma_wait3A_675 : memref<128x64xf32, #tpu.memory_space<hbm>>)
      } else {
      }
      %mul3A_225 = arith.constant 10 : i32
      %mul3A_226 = arith.muli %scan3A_139, %mul3A_225 : i32
      %add3A_227 = arith.constant 4 : i32
      %add3A_228 = arith.addi %mul3A_226, %add3A_227 : i32
      %dma_start3A_229 = arith.constant 4 : i32
      %dma_start3A_230 = arith.constant 512 : i32
      %dma_start3A_231 = arith.constant 0 : i32
      %dma_start3A_232 = tpu.memref_slice %arg6[%dma_start3A_230, %dma_start3A_231] : memref<1280x64xf32, #tpu.memory_space<vmem>> -> memref<128x64xf32, #tpu.memory_space<vmem>>
      %dma_start3A_233 = arith.constant 0 : i32
      %dma_start3A_234 = tpu.memref_slice %arg5[%add3A_228, %dma_start3A_233] : memref<100x128xi32, #tpu.memory_space<vmem>> -> memref<1x128xi32, #tpu.memory_space<vmem>>
      %dma_start3A_235 = tpu.memref_squeeze %dma_start3A_234 : memref<1x128xi32, #tpu.memory_space<vmem>> -> memref<128xi32, #tpu.memory_space<vmem>>
      %dma_start3A_236 = arith.constant 0 : i32
      %dma_start3A_237 = arith.constant 0 : i32
      %dma_start3A_238 = tpu.memref_slice %arg2[%dma_start3A_236, %dma_start3A_237] : memref<114688x64xf32, #tpu.memory_space<hbm>> -> memref<114688x64xf32, #tpu.memory_space<hbm>>
      %dma_start3A_239 = tpu.memref_slice %arg7[%dma_start3A_229] : memref<10x!tpu.dma_semaphore, #tpu.memory_space<semaphore_mem>> -> memref<1x!tpu.dma_semaphore, #tpu.memory_space<semaphore_mem>>
      %dma_start3A_240 = tpu.memref_squeeze %dma_start3A_239 : memref<1x!tpu.dma_semaphore, #tpu.memory_space<semaphore_mem>> -> memref<!tpu.dma_semaphore, #tpu.memory_space<semaphore_mem>>
      tpu.enqueue_indirect_dma source(%dma_start3A_238 : memref<114688x64xf32, #tpu.memory_space<hbm>>) target(%dma_start3A_232 : memref<128x64xf32, #tpu.memory_space<vmem>>) offsets(%dma_start3A_235 : memref<128xi32, #tpu.memory_space<vmem>>) semaphore(%dma_start3A_240 : memref<!tpu.dma_semaphore, #tpu.memory_space<semaphore_mem>>)
      %gt3A_241 = arith.constant 0 : i32
      %gt3A_242 = arith.cmpi sgt, %scan3A_139, %gt3A_241 : i32
      %convert_element_type3A_243 = arith.extui %gt3A_242 : i1 to i32
      %cond3A_244 = arith.constant 0 : i32
      %cond3A_245 = arith.cmpi ne, %convert_element_type3A_243, %cond3A_244 : i32
      scf.if %cond3A_245 {
        %dma_wait3A_666 = arith.constant 5 : i32
        %dma_wait3A_667 = arith.constant 640 : i32
        %dma_wait3A_668 = arith.constant 0 : i32
        %dma_wait3A_669 = tpu.memref_slice %arg6[%dma_wait3A_667, %dma_wait3A_668] : memref<1280x64xf32, #tpu.memory_space<vmem>> -> memref<128x64xf32, #tpu.memory_space<vmem>>
        %dma_wait3A_670 = arith.constant 0 : i32
        %dma_wait3A_671 = tpu.memref_slice %arg4[%mul3A_2, %dma_wait3A_670] : memref<409600x64xf32, #tpu.memory_space<hbm>> -> memref<128x64xf32, #tpu.memory_space<hbm>>
        %dma_wait3A_672 = tpu.memref_slice %arg8[%dma_wait3A_666] : memref<10x!tpu.dma_semaphore, #tpu.memory_space<semaphore_mem>> -> memref<1x!tpu.dma_semaphore, #tpu.memory_space<semaphore_mem>>
        %dma_wait3A_673 = tpu.memref_squeeze %dma_wait3A_672 : memref<1x!tpu.dma_semaphore, #tpu.memory_space<semaphore_mem>> -> memref<!tpu.dma_semaphore, #tpu.memory_space<semaphore_mem>>
        %dma_wait3A_674 = arith.constant 0 : i32
        %dma_wait3A_675 = tpu.memref_slice %arg4[%mul3A_2, %dma_wait3A_674] : memref<409600x64xf32, #tpu.memory_space<hbm>> -> memref<128x64xf32, #tpu.memory_space<hbm>>
        %dma_wait3A_676 = arith.constant 640 : i32
        %dma_wait3A_677 = arith.constant 0 : i32
        %dma_wait3A_678 = tpu.memref_slice %arg6[%dma_wait3A_676, %dma_wait3A_677] : memref<1280x64xf32, #tpu.memory_space<vmem>> -> memref<128x64xf32, #tpu.memory_space<vmem>>
        tpu.wait_dma2 semaphore(%dma_wait3A_673 : memref<!tpu.dma_semaphore, #tpu.memory_space<semaphore_mem>>) src(%dma_wait3A_678 : memref<128x64xf32, #tpu.memory_space<vmem>>) dst(%dma_wait3A_675 : memref<128x64xf32, #tpu.memory_space<hbm>>)
      } else {
      }
      %mul3A_246 = arith.constant 10 : i32
      %mul3A_247 = arith.muli %scan3A_139, %mul3A_246 : i32
      %add3A_248 = arith.constant 5 : i32
      %add3A_249 = arith.addi %mul3A_247, %add3A_248 : i32
      %dma_start3A_250 = arith.constant 5 : i32
      %dma_start3A_251 = arith.constant 640 : i32
      %dma_start3A_252 = arith.constant 0 : i32
      %dma_start3A_253 = tpu.memref_slice %arg6[%dma_start3A_251, %dma_start3A_252] : memref<1280x64xf32, #tpu.memory_space<vmem>> -> memref<128x64xf32, #tpu.memory_space<vmem>>
      %dma_start3A_254 = arith.constant 0 : i32
      %dma_start3A_255 = tpu.memref_slice %arg5[%add3A_249, %dma_start3A_254] : memref<100x128xi32, #tpu.memory_space<vmem>> -> memref<1x128xi32, #tpu.memory_space<vmem>>
      %dma_start3A_256 = tpu.memref_squeeze %dma_start3A_255 : memref<1x128xi32, #tpu.memory_space<vmem>> -> memref<128xi32, #tpu.memory_space<vmem>>
      %dma_start3A_257 = arith.constant 0 : i32
      %dma_start3A_258 = arith.constant 0 : i32
      %dma_start3A_259 = tpu.memref_slice %arg2[%dma_start3A_257, %dma_start3A_258] : memref<114688x64xf32, #tpu.memory_space<hbm>> -> memref<114688x64xf32, #tpu.memory_space<hbm>>
      %dma_start3A_260 = tpu.memref_slice %arg7[%dma_start3A_250] : memref<10x!tpu.dma_semaphore, #tpu.memory_space<semaphore_mem>> -> memref<1x!tpu.dma_semaphore, #tpu.memory_space<semaphore_mem>>
      %dma_start3A_261 = tpu.memref_squeeze %dma_start3A_260 : memref<1x!tpu.dma_semaphore, #tpu.memory_space<semaphore_mem>> -> memref<!tpu.dma_semaphore, #tpu.memory_space<semaphore_mem>>
      tpu.enqueue_indirect_dma source(%dma_start3A_259 : memref<114688x64xf32, #tpu.memory_space<hbm>>) target(%dma_start3A_253 : memref<128x64xf32, #tpu.memory_space<vmem>>) offsets(%dma_start3A_256 : memref<128xi32, #tpu.memory_space<vmem>>) semaphore(%dma_start3A_261 : memref<!tpu.dma_semaphore, #tpu.memory_space<semaphore_mem>>)
      %gt3A_262 = arith.constant 0 : i32
      %gt3A_263 = arith.cmpi sgt, %scan3A_139, %gt3A_262 : i32
      %convert_element_type3A_264 = arith.extui %gt3A_263 : i1 to i32
      %cond3A_265 = arith.constant 0 : i32
      %cond3A_266 = arith.cmpi ne, %convert_element_type3A_264, %cond3A_265 : i32
      scf.if %cond3A_266 {
        %dma_wait3A_666 = arith.constant 6 : i32
        %dma_wait3A_667 = arith.constant 768 : i32
        %dma_wait3A_668 = arith.constant 0 : i32
        %dma_wait3A_669 = tpu.memref_slice %arg6[%dma_wait3A_667, %dma_wait3A_668] : memref<1280x64xf32, #tpu.memory_space<vmem>> -> memref<128x64xf32, #tpu.memory_space<vmem>>
        %dma_wait3A_670 = arith.constant 0 : i32
        %dma_wait3A_671 = tpu.memref_slice %arg4[%mul3A_2, %dma_wait3A_670] : memref<409600x64xf32, #tpu.memory_space<hbm>> -> memref<128x64xf32, #tpu.memory_space<hbm>>
        %dma_wait3A_672 = tpu.memref_slice %arg8[%dma_wait3A_666] : memref<10x!tpu.dma_semaphore, #tpu.memory_space<semaphore_mem>> -> memref<1x!tpu.dma_semaphore, #tpu.memory_space<semaphore_mem>>
        %dma_wait3A_673 = tpu.memref_squeeze %dma_wait3A_672 : memref<1x!tpu.dma_semaphore, #tpu.memory_space<semaphore_mem>> -> memref<!tpu.dma_semaphore, #tpu.memory_space<semaphore_mem>>
        %dma_wait3A_674 = arith.constant 0 : i32
        %dma_wait3A_675 = tpu.memref_slice %arg4[%mul3A_2, %dma_wait3A_674] : memref<409600x64xf32, #tpu.memory_space<hbm>> -> memref<128x64xf32, #tpu.memory_space<hbm>>
        %dma_wait3A_676 = arith.constant 768 : i32
        %dma_wait3A_677 = arith.constant 0 : i32
        %dma_wait3A_678 = tpu.memref_slice %arg6[%dma_wait3A_676, %dma_wait3A_677] : memref<1280x64xf32, #tpu.memory_space<vmem>> -> memref<128x64xf32, #tpu.memory_space<vmem>>
        tpu.wait_dma2 semaphore(%dma_wait3A_673 : memref<!tpu.dma_semaphore, #tpu.memory_space<semaphore_mem>>) src(%dma_wait3A_678 : memref<128x64xf32, #tpu.memory_space<vmem>>) dst(%dma_wait3A_675 : memref<128x64xf32, #tpu.memory_space<hbm>>)
      } else {
      }
      %mul3A_267 = arith.constant 10 : i32
      %mul3A_268 = arith.muli %scan3A_139, %mul3A_267 : i32
      %add3A_269 = arith.constant 6 : i32
      %add3A_270 = arith.addi %mul3A_268, %add3A_269 : i32
      %dma_start3A_271 = arith.constant 6 : i32
      %dma_start3A_272 = arith.constant 768 : i32
      %dma_start3A_273 = arith.constant 0 : i32
      %dma_start3A_274 = tpu.memref_slice %arg6[%dma_start3A_272, %dma_start3A_273] : memref<1280x64xf32, #tpu.memory_space<vmem>> -> memref<128x64xf32, #tpu.memory_space<vmem>>
      %dma_start3A_275 = arith.constant 0 : i32
      %dma_start3A_276 = tpu.memref_slice %arg5[%add3A_270, %dma_start3A_275] : memref<100x128xi32, #tpu.memory_space<vmem>> -> memref<1x128xi32, #tpu.memory_space<vmem>>
      %dma_start3A_277 = tpu.memref_squeeze %dma_start3A_276 : memref<1x128xi32, #tpu.memory_space<vmem>> -> memref<128xi32, #tpu.memory_space<vmem>>
      %dma_start3A_278 = arith.constant 0 : i32
      %dma_start3A_279 = arith.constant 0 : i32
      %dma_start3A_280 = tpu.memref_slice %arg2[%dma_start3A_278, %dma_start3A_279] : memref<114688x64xf32, #tpu.memory_space<hbm>> -> memref<114688x64xf32, #tpu.memory_space<hbm>>
      %dma_start3A_281 = tpu.memref_slice %arg7[%dma_start3A_271] : memref<10x!tpu.dma_semaphore, #tpu.memory_space<semaphore_mem>> -> memref<1x!tpu.dma_semaphore, #tpu.memory_space<semaphore_mem>>
      %dma_start3A_282 = tpu.memref_squeeze %dma_start3A_281 : memref<1x!tpu.dma_semaphore, #tpu.memory_space<semaphore_mem>> -> memref<!tpu.dma_semaphore, #tpu.memory_space<semaphore_mem>>
      tpu.enqueue_indirect_dma source(%dma_start3A_280 : memref<114688x64xf32, #tpu.memory_space<hbm>>) target(%dma_start3A_274 : memref<128x64xf32, #tpu.memory_space<vmem>>) offsets(%dma_start3A_277 : memref<128xi32, #tpu.memory_space<vmem>>) semaphore(%dma_start3A_282 : memref<!tpu.dma_semaphore, #tpu.memory_space<semaphore_mem>>)
      %gt3A_283 = arith.constant 0 : i32
      %gt3A_284 = arith.cmpi sgt, %scan3A_139, %gt3A_283 : i32
      %convert_element_type3A_285 = arith.extui %gt3A_284 : i1 to i32
      %cond3A_286 = arith.constant 0 : i32
      %cond3A_287 = arith.cmpi ne, %convert_element_type3A_285, %cond3A_286 : i32
      scf.if %cond3A_287 {
        %dma_wait3A_666 = arith.constant 7 : i32
        %dma_wait3A_667 = arith.constant 896 : i32
        %dma_wait3A_668 = arith.constant 0 : i32
        %dma_wait3A_669 = tpu.memref_slice %arg6[%dma_wait3A_667, %dma_wait3A_668] : memref<1280x64xf32, #tpu.memory_space<vmem>> -> memref<128x64xf32, #tpu.memory_space<vmem>>
        %dma_wait3A_670 = arith.constant 0 : i32
        %dma_wait3A_671 = tpu.memref_slice %arg4[%mul3A_2, %dma_wait3A_670] : memref<409600x64xf32, #tpu.memory_space<hbm>> -> memref<128x64xf32, #tpu.memory_space<hbm>>
        %dma_wait3A_672 = tpu.memref_slice %arg8[%dma_wait3A_666] : memref<10x!tpu.dma_semaphore, #tpu.memory_space<semaphore_mem>> -> memref<1x!tpu.dma_semaphore, #tpu.memory_space<semaphore_mem>>
        %dma_wait3A_673 = tpu.memref_squeeze %dma_wait3A_672 : memref<1x!tpu.dma_semaphore, #tpu.memory_space<semaphore_mem>> -> memref<!tpu.dma_semaphore, #tpu.memory_space<semaphore_mem>>
        %dma_wait3A_674 = arith.constant 0 : i32
        %dma_wait3A_675 = tpu.memref_slice %arg4[%mul3A_2, %dma_wait3A_674] : memref<409600x64xf32, #tpu.memory_space<hbm>> -> memref<128x64xf32, #tpu.memory_space<hbm>>
        %dma_wait3A_676 = arith.constant 896 : i32
        %dma_wait3A_677 = arith.constant 0 : i32
        %dma_wait3A_678 = tpu.memref_slice %arg6[%dma_wait3A_676, %dma_wait3A_677] : memref<1280x64xf32, #tpu.memory_space<vmem>> -> memref<128x64xf32, #tpu.memory_space<vmem>>
        tpu.wait_dma2 semaphore(%dma_wait3A_673 : memref<!tpu.dma_semaphore, #tpu.memory_space<semaphore_mem>>) src(%dma_wait3A_678 : memref<128x64xf32, #tpu.memory_space<vmem>>) dst(%dma_wait3A_675 : memref<128x64xf32, #tpu.memory_space<hbm>>)
      } else {
      }
      %mul3A_288 = arith.constant 10 : i32
      %mul3A_289 = arith.muli %scan3A_139, %mul3A_288 : i32
      %add3A_290 = arith.constant 7 : i32
      %add3A_291 = arith.addi %mul3A_289, %add3A_290 : i32
      %dma_start3A_292 = arith.constant 7 : i32
      %dma_start3A_293 = arith.constant 896 : i32
      %dma_start3A_294 = arith.constant 0 : i32
      %dma_start3A_295 = tpu.memref_slice %arg6[%dma_start3A_293, %dma_start3A_294] : memref<1280x64xf32, #tpu.memory_space<vmem>> -> memref<128x64xf32, #tpu.memory_space<vmem>>
      %dma_start3A_296 = arith.constant 0 : i32
      %dma_start3A_297 = tpu.memref_slice %arg5[%add3A_291, %dma_start3A_296] : memref<100x128xi32, #tpu.memory_space<vmem>> -> memref<1x128xi32, #tpu.memory_space<vmem>>
      %dma_start3A_298 = tpu.memref_squeeze %dma_start3A_297 : memref<1x128xi32, #tpu.memory_space<vmem>> -> memref<128xi32, #tpu.memory_space<vmem>>
      %dma_start3A_299 = arith.constant 0 : i32
      %dma_start3A_300 = arith.constant 0 : i32
      %dma_start3A_301 = tpu.memref_slice %arg2[%dma_start3A_299, %dma_start3A_300] : memref<114688x64xf32, #tpu.memory_space<hbm>> -> memref<114688x64xf32, #tpu.memory_space<hbm>>
      %dma_start3A_302 = tpu.memref_slice %arg7[%dma_start3A_292] : memref<10x!tpu.dma_semaphore, #tpu.memory_space<semaphore_mem>> -> memref<1x!tpu.dma_semaphore, #tpu.memory_space<semaphore_mem>>
      %dma_start3A_303 = tpu.memref_squeeze %dma_start3A_302 : memref<1x!tpu.dma_semaphore, #tpu.memory_space<semaphore_mem>> -> memref<!tpu.dma_semaphore, #tpu.memory_space<semaphore_mem>>
      tpu.enqueue_indirect_dma source(%dma_start3A_301 : memref<114688x64xf32, #tpu.memory_space<hbm>>) target(%dma_start3A_295 : memref<128x64xf32, #tpu.memory_space<vmem>>) offsets(%dma_start3A_298 : memref<128xi32, #tpu.memory_space<vmem>>) semaphore(%dma_start3A_303 : memref<!tpu.dma_semaphore, #tpu.memory_space<semaphore_mem>>)
      %gt3A_304 = arith.constant 0 : i32
      %gt3A_305 = arith.cmpi sgt, %scan3A_139, %gt3A_304 : i32
      %convert_element_type3A_306 = arith.extui %gt3A_305 : i1 to i32
      %cond3A_307 = arith.constant 0 : i32
      %cond3A_308 = arith.cmpi ne, %convert_element_type3A_306, %cond3A_307 : i32
      scf.if %cond3A_308 {
        %dma_wait3A_666 = arith.constant 8 : i32
        %dma_wait3A_667 = arith.constant 1024 : i32
        %dma_wait3A_668 = arith.constant 0 : i32
        %dma_wait3A_669 = tpu.memref_slice %arg6[%dma_wait3A_667, %dma_wait3A_668] : memref<1280x64xf32, #tpu.memory_space<vmem>> -> memref<128x64xf32, #tpu.memory_space<vmem>>
        %dma_wait3A_670 = arith.constant 0 : i32
        %dma_wait3A_671 = tpu.memref_slice %arg4[%mul3A_2, %dma_wait3A_670] : memref<409600x64xf32, #tpu.memory_space<hbm>> -> memref<128x64xf32, #tpu.memory_space<hbm>>
        %dma_wait3A_672 = tpu.memref_slice %arg8[%dma_wait3A_666] : memref<10x!tpu.dma_semaphore, #tpu.memory_space<semaphore_mem>> -> memref<1x!tpu.dma_semaphore, #tpu.memory_space<semaphore_mem>>
        %dma_wait3A_673 = tpu.memref_squeeze %dma_wait3A_672 : memref<1x!tpu.dma_semaphore, #tpu.memory_space<semaphore_mem>> -> memref<!tpu.dma_semaphore, #tpu.memory_space<semaphore_mem>>
        %dma_wait3A_674 = arith.constant 0 : i32
        %dma_wait3A_675 = tpu.memref_slice %arg4[%mul3A_2, %dma_wait3A_674] : memref<409600x64xf32, #tpu.memory_space<hbm>> -> memref<128x64xf32, #tpu.memory_space<hbm>>
        %dma_wait3A_676 = arith.constant 1024 : i32
        %dma_wait3A_677 = arith.constant 0 : i32
        %dma_wait3A_678 = tpu.memref_slice %arg6[%dma_wait3A_676, %dma_wait3A_677] : memref<1280x64xf32, #tpu.memory_space<vmem>> -> memref<128x64xf32, #tpu.memory_space<vmem>>
        tpu.wait_dma2 semaphore(%dma_wait3A_673 : memref<!tpu.dma_semaphore, #tpu.memory_space<semaphore_mem>>) src(%dma_wait3A_678 : memref<128x64xf32, #tpu.memory_space<vmem>>) dst(%dma_wait3A_675 : memref<128x64xf32, #tpu.memory_space<hbm>>)
      } else {
      }
      %mul3A_309 = arith.constant 10 : i32
      %mul3A_310 = arith.muli %scan3A_139, %mul3A_309 : i32
      %add3A_311 = arith.constant 8 : i32
      %add3A_312 = arith.addi %mul3A_310, %add3A_311 : i32
      %dma_start3A_313 = arith.constant 8 : i32
      %dma_start3A_314 = arith.constant 1024 : i32
      %dma_start3A_315 = arith.constant 0 : i32
      %dma_start3A_316 = tpu.memref_slice %arg6[%dma_start3A_314, %dma_start3A_315] : memref<1280x64xf32, #tpu.memory_space<vmem>> -> memref<128x64xf32, #tpu.memory_space<vmem>>
      %dma_start3A_317 = arith.constant 0 : i32
      %dma_start3A_318 = tpu.memref_slice %arg5[%add3A_312, %dma_start3A_317] : memref<100x128xi32, #tpu.memory_space<vmem>> -> memref<1x128xi32, #tpu.memory_space<vmem>>
      %dma_start3A_319 = tpu.memref_squeeze %dma_start3A_318 : memref<1x128xi32, #tpu.memory_space<vmem>> -> memref<128xi32, #tpu.memory_space<vmem>>
      %dma_start3A_320 = arith.constant 0 : i32
      %dma_start3A_321 = arith.constant 0 : i32
      %dma_start3A_322 = tpu.memref_slice %arg2[%dma_start3A_320, %dma_start3A_321] : memref<114688x64xf32, #tpu.memory_space<hbm>> -> memref<114688x64xf32, #tpu.memory_space<hbm>>
      %dma_start3A_323 = tpu.memref_slice %arg7[%dma_start3A_313] : memref<10x!tpu.dma_semaphore, #tpu.memory_space<semaphore_mem>> -> memref<1x!tpu.dma_semaphore, #tpu.memory_space<semaphore_mem>>
      %dma_start3A_324 = tpu.memref_squeeze %dma_start3A_323 : memref<1x!tpu.dma_semaphore, #tpu.memory_space<semaphore_mem>> -> memref<!tpu.dma_semaphore, #tpu.memory_space<semaphore_mem>>
      tpu.enqueue_indirect_dma source(%dma_start3A_322 : memref<114688x64xf32, #tpu.memory_space<hbm>>) target(%dma_start3A_316 : memref<128x64xf32, #tpu.memory_space<vmem>>) offsets(%dma_start3A_319 : memref<128xi32, #tpu.memory_space<vmem>>) semaphore(%dma_start3A_324 : memref<!tpu.dma_semaphore, #tpu.memory_space<semaphore_mem>>)
      %gt3A_325 = arith.constant 0 : i32
      %gt3A_326 = arith.cmpi sgt, %scan3A_139, %gt3A_325 : i32
      %convert_element_type3A_327 = arith.extui %gt3A_326 : i1 to i32
      %cond3A_328 = arith.constant 0 : i32
      %cond3A_329 = arith.cmpi ne, %convert_element_type3A_327, %cond3A_328 : i32
      scf.if %cond3A_329 {
        %dma_wait3A_666 = arith.constant 9 : i32
        %dma_wait3A_667 = arith.constant 1152 : i32
        %dma_wait3A_668 = arith.constant 0 : i32
        %dma_wait3A_669 = tpu.memref_slice %arg6[%dma_wait3A_667, %dma_wait3A_668] : memref<1280x64xf32, #tpu.memory_space<vmem>> -> memref<128x64xf32, #tpu.memory_space<vmem>>
        %dma_wait3A_670 = arith.constant 0 : i32
        %dma_wait3A_671 = tpu.memref_slice %arg4[%mul3A_2, %dma_wait3A_670] : memref<409600x64xf32, #tpu.memory_space<hbm>> -> memref<128x64xf32, #tpu.memory_space<hbm>>
        %dma_wait3A_672 = tpu.memref_slice %arg8[%dma_wait3A_666] : memref<10x!tpu.dma_semaphore, #tpu.memory_space<semaphore_mem>> -> memref<1x!tpu.dma_semaphore, #tpu.memory_space<semaphore_mem>>
        %dma_wait3A_673 = tpu.memref_squeeze %dma_wait3A_672 : memref<1x!tpu.dma_semaphore, #tpu.memory_space<semaphore_mem>> -> memref<!tpu.dma_semaphore, #tpu.memory_space<semaphore_mem>>
        %dma_wait3A_674 = arith.constant 0 : i32
        %dma_wait3A_675 = tpu.memref_slice %arg4[%mul3A_2, %dma_wait3A_674] : memref<409600x64xf32, #tpu.memory_space<hbm>> -> memref<128x64xf32, #tpu.memory_space<hbm>>
        %dma_wait3A_676 = arith.constant 1152 : i32
        %dma_wait3A_677 = arith.constant 0 : i32
        %dma_wait3A_678 = tpu.memref_slice %arg6[%dma_wait3A_676, %dma_wait3A_677] : memref<1280x64xf32, #tpu.memory_space<vmem>> -> memref<128x64xf32, #tpu.memory_space<vmem>>
        tpu.wait_dma2 semaphore(%dma_wait3A_673 : memref<!tpu.dma_semaphore, #tpu.memory_space<semaphore_mem>>) src(%dma_wait3A_678 : memref<128x64xf32, #tpu.memory_space<vmem>>) dst(%dma_wait3A_675 : memref<128x64xf32, #tpu.memory_space<hbm>>)
      } else {
      }
      %mul3A_330 = arith.constant 10 : i32
      %mul3A_331 = arith.muli %scan3A_139, %mul3A_330 : i32
      %add3A_332 = arith.constant 9 : i32
      %add3A_333 = arith.addi %mul3A_331, %add3A_332 : i32
      %dma_start3A_334 = arith.constant 9 : i32
      %dma_start3A_335 = arith.constant 1152 : i32
      %dma_start3A_336 = arith.constant 0 : i32
      %dma_start3A_337 = tpu.memref_slice %arg6[%dma_start3A_335, %dma_start3A_336] : memref<1280x64xf32, #tpu.memory_space<vmem>> -> memref<128x64xf32, #tpu.memory_space<vmem>>
      %dma_start3A_338 = arith.constant 0 : i32
      %dma_start3A_339 = tpu.memref_slice %arg5[%add3A_333, %dma_start3A_338] : memref<100x128xi32, #tpu.memory_space<vmem>> -> memref<1x128xi32, #tpu.memory_space<vmem>>
      %dma_start3A_340 = tpu.memref_squeeze %dma_start3A_339 : memref<1x128xi32, #tpu.memory_space<vmem>> -> memref<128xi32, #tpu.memory_space<vmem>>
      %dma_start3A_341 = arith.constant 0 : i32
      %dma_start3A_342 = arith.constant 0 : i32
      %dma_start3A_343 = tpu.memref_slice %arg2[%dma_start3A_341, %dma_start3A_342] : memref<114688x64xf32, #tpu.memory_space<hbm>> -> memref<114688x64xf32, #tpu.memory_space<hbm>>
      %dma_start3A_344 = tpu.memref_slice %arg7[%dma_start3A_334] : memref<10x!tpu.dma_semaphore, #tpu.memory_space<semaphore_mem>> -> memref<1x!tpu.dma_semaphore, #tpu.memory_space<semaphore_mem>>
      %dma_start3A_345 = tpu.memref_squeeze %dma_start3A_344 : memref<1x!tpu.dma_semaphore, #tpu.memory_space<semaphore_mem>> -> memref<!tpu.dma_semaphore, #tpu.memory_space<semaphore_mem>>
      tpu.enqueue_indirect_dma source(%dma_start3A_343 : memref<114688x64xf32, #tpu.memory_space<hbm>>) target(%dma_start3A_337 : memref<128x64xf32, #tpu.memory_space<vmem>>) offsets(%dma_start3A_340 : memref<128xi32, #tpu.memory_space<vmem>>) semaphore(%dma_start3A_345 : memref<!tpu.dma_semaphore, #tpu.memory_space<semaphore_mem>>)
      %dma_wait3A_346 = arith.constant 0 : i32
      %dma_wait3A_347 = arith.constant 0 : i32
      %dma_wait3A_348 = arith.constant 0 : i32
      %dma_wait3A_349 = tpu.memref_slice %arg6[%dma_wait3A_347, %dma_wait3A_348] : memref<1280x64xf32, #tpu.memory_space<vmem>> -> memref<128x64xf32, #tpu.memory_space<vmem>>
      %dma_wait3A_350 = arith.constant 0 : i32
      %dma_wait3A_351 = tpu.memref_slice %arg5[%add3A_145, %dma_wait3A_350] : memref<100x128xi32, #tpu.memory_space<vmem>> -> memref<1x128xi32, #tpu.memory_space<vmem>>
      %dma_wait3A_352 = tpu.memref_squeeze %dma_wait3A_351 : memref<1x128xi32, #tpu.memory_space<vmem>> -> memref<128xi32, #tpu.memory_space<vmem>>
      %dma_wait3A_353 = arith.constant 0 : i32
      %dma_wait3A_354 = arith.constant 0 : i32
      %dma_wait3A_355 = tpu.memref_slice %arg2[%dma_wait3A_353, %dma_wait3A_354] : memref<114688x64xf32, #tpu.memory_space<hbm>> -> memref<114688x64xf32, #tpu.memory_space<hbm>>
      %dma_wait3A_356 = tpu.memref_slice %arg7[%dma_wait3A_346] : memref<10x!tpu.dma_semaphore, #tpu.memory_space<semaphore_mem>> -> memref<1x!tpu.dma_semaphore, #tpu.memory_space<semaphore_mem>>
      %dma_wait3A_357 = tpu.memref_squeeze %dma_wait3A_356 : memref<1x!tpu.dma_semaphore, #tpu.memory_space<semaphore_mem>> -> memref<!tpu.dma_semaphore, #tpu.memory_space<semaphore_mem>>
      tpu.wait_indirect_dma semaphore(%dma_wait3A_357 : memref<!tpu.dma_semaphore, #tpu.memory_space<semaphore_mem>>) src(%dma_wait3A_355 : memref<114688x64xf32, #tpu.memory_space<hbm>>) dst(%dma_wait3A_349 : memref<128x64xf32, #tpu.memory_space<vmem>>)
      %mul3A_358 = arith.constant 10 : i32
      %mul3A_359 = arith.muli %scan3A_139, %mul3A_358 : i32
      %add3A_360 = arith.constant 0 : i32
      %add3A_361 = arith.addi %mul3A_359, %add3A_360 : i32
      %mul3A_362 = arith.constant 128 : i32
      %mul3A_363 = arith.muli %add3A_361, %mul3A_362 : i32
      %add3A_364 = arith.addi %mul3A_2, %mul3A_363 : i32
      %dma_start3A_365 = arith.constant 0 : i32
      %dma_start3A_366 = arith.constant 0 : i32
      %dma_start3A_367 = arith.constant 0 : i32
      %dma_start3A_368 = tpu.memref_slice %arg6[%dma_start3A_366, %dma_start3A_367] : memref<1280x64xf32, #tpu.memory_space<vmem>> -> memref<128x64xf32, #tpu.memory_space<vmem>>
      %dma_start3A_369 = arith.constant 0 : i32
      %dma_start3A_370 = tpu.memref_slice %arg4[%add3A_364, %dma_start3A_369] : memref<409600x64xf32, #tpu.memory_space<hbm>> -> memref<128x64xf32, #tpu.memory_space<hbm>>
      %dma_start3A_371 = tpu.memref_slice %arg8[%dma_start3A_365] : memref<10x!tpu.dma_semaphore, #tpu.memory_space<semaphore_mem>> -> memref<1x!tpu.dma_semaphore, #tpu.memory_space<semaphore_mem>>
      %dma_start3A_372 = tpu.memref_squeeze %dma_start3A_371 : memref<1x!tpu.dma_semaphore, #tpu.memory_space<semaphore_mem>> -> memref<!tpu.dma_semaphore, #tpu.memory_space<semaphore_mem>>
      %dma_start3A_373 = arith.constant 0 : i32
      %dma_start3A_374 = tpu.memref_slice %arg4[%add3A_364, %dma_start3A_373] : memref<409600x64xf32, #tpu.memory_space<hbm>> -> memref<128x64xf32, #tpu.memory_space<hbm>>
      %dma_start3A_375 = arith.constant 0 : i32
      %dma_start3A_376 = arith.constant 0 : i32
      %dma_start3A_377 = tpu.memref_slice %arg6[%dma_start3A_375, %dma_start3A_376] : memref<1280x64xf32, #tpu.memory_space<vmem>> -> memref<128x64xf32, #tpu.memory_space<vmem>>
      tpu.enqueue_dma source(%dma_start3A_377 : memref<128x64xf32, #tpu.memory_space<vmem>>) target(%dma_start3A_374 : memref<128x64xf32, #tpu.memory_space<hbm>>) target_semaphore(%dma_start3A_372 : memref<!tpu.dma_semaphore, #tpu.memory_space<semaphore_mem>>)
      %dma_wait3A_378 = arith.constant 1 : i32
      %dma_wait3A_379 = arith.constant 128 : i32
      %dma_wait3A_380 = arith.constant 0 : i32
      %dma_wait3A_381 = tpu.memref_slice %arg6[%dma_wait3A_379, %dma_wait3A_380] : memref<1280x64xf32, #tpu.memory_space<vmem>> -> memref<128x64xf32, #tpu.memory_space<vmem>>
      %dma_wait3A_382 = arith.constant 0 : i32
      %dma_wait3A_383 = tpu.memref_slice %arg5[%add3A_165, %dma_wait3A_382] : memref<100x128xi32, #tpu.memory_space<vmem>> -> memref<1x128xi32, #tpu.memory_space<vmem>>
      %dma_wait3A_384 = tpu.memref_squeeze %dma_wait3A_383 : memref<1x128xi32, #tpu.memory_space<vmem>> -> memref<128xi32, #tpu.memory_space<vmem>>
      %dma_wait3A_385 = arith.constant 0 : i32
      %dma_wait3A_386 = arith.constant 0 : i32
      %dma_wait3A_387 = tpu.memref_slice %arg2[%dma_wait3A_385, %dma_wait3A_386] : memref<114688x64xf32, #tpu.memory_space<hbm>> -> memref<114688x64xf32, #tpu.memory_space<hbm>>
      %dma_wait3A_388 = tpu.memref_slice %arg7[%dma_wait3A_378] : memref<10x!tpu.dma_semaphore, #tpu.memory_space<semaphore_mem>> -> memref<1x!tpu.dma_semaphore, #tpu.memory_space<semaphore_mem>>
      %dma_wait3A_389 = tpu.memref_squeeze %dma_wait3A_388 : memref<1x!tpu.dma_semaphore, #tpu.memory_space<semaphore_mem>> -> memref<!tpu.dma_semaphore, #tpu.memory_space<semaphore_mem>>
      tpu.wait_indirect_dma semaphore(%dma_wait3A_389 : memref<!tpu.dma_semaphore, #tpu.memory_space<semaphore_mem>>) src(%dma_wait3A_387 : memref<114688x64xf32, #tpu.memory_space<hbm>>) dst(%dma_wait3A_381 : memref<128x64xf32, #tpu.memory_space<vmem>>)
      %mul3A_390 = arith.constant 10 : i32
      %mul3A_391 = arith.muli %scan3A_139, %mul3A_390 : i32
      %add3A_392 = arith.constant 1 : i32
      %add3A_393 = arith.addi %mul3A_391, %add3A_392 : i32
      %mul3A_394 = arith.constant 128 : i32
      %mul3A_395 = arith.muli %add3A_393, %mul3A_394 : i32
      %add3A_396 = arith.addi %mul3A_2, %mul3A_395 : i32
      %dma_start3A_397 = arith.constant 1 : i32
      %dma_start3A_398 = arith.constant 128 : i32
      %dma_start3A_399 = arith.constant 0 : i32
      %dma_start3A_400 = tpu.memref_slice %arg6[%dma_start3A_398, %dma_start3A_399] : memref<1280x64xf32, #tpu.memory_space<vmem>> -> memref<128x64xf32, #tpu.memory_space<vmem>>
      %dma_start3A_401 = arith.constant 0 : i32
      %dma_start3A_402 = tpu.memref_slice %arg4[%add3A_396, %dma_start3A_401] : memref<409600x64xf32, #tpu.memory_space<hbm>> -> memref<128x64xf32, #tpu.memory_space<hbm>>
      %dma_start3A_403 = tpu.memref_slice %arg8[%dma_start3A_397] : memref<10x!tpu.dma_semaphore, #tpu.memory_space<semaphore_mem>> -> memref<1x!tpu.dma_semaphore, #tpu.memory_space<semaphore_mem>>
      %dma_start3A_404 = tpu.memref_squeeze %dma_start3A_403 : memref<1x!tpu.dma_semaphore, #tpu.memory_space<semaphore_mem>> -> memref<!tpu.dma_semaphore, #tpu.memory_space<semaphore_mem>>
      %dma_start3A_405 = arith.constant 0 : i32
      %dma_start3A_406 = tpu.memref_slice %arg4[%add3A_396, %dma_start3A_405] : memref<409600x64xf32, #tpu.memory_space<hbm>> -> memref<128x64xf32, #tpu.memory_space<hbm>>
      %dma_start3A_407 = arith.constant 128 : i32
      %dma_start3A_408 = arith.constant 0 : i32
      %dma_start3A_409 = tpu.memref_slice %arg6[%dma_start3A_407, %dma_start3A_408] : memref<1280x64xf32, #tpu.memory_space<vmem>> -> memref<128x64xf32, #tpu.memory_space<vmem>>
      tpu.enqueue_dma source(%dma_start3A_409 : memref<128x64xf32, #tpu.memory_space<vmem>>) target(%dma_start3A_406 : memref<128x64xf32, #tpu.memory_space<hbm>>) target_semaphore(%dma_start3A_404 : memref<!tpu.dma_semaphore, #tpu.memory_space<semaphore_mem>>)
      %dma_wait3A_410 = arith.constant 2 : i32
      %dma_wait3A_411 = arith.constant 256 : i32
      %dma_wait3A_412 = arith.constant 0 : i32
      %dma_wait3A_413 = tpu.memref_slice %arg6[%dma_wait3A_411, %dma_wait3A_412] : memref<1280x64xf32, #tpu.memory_space<vmem>> -> memref<128x64xf32, #tpu.memory_space<vmem>>
      %dma_wait3A_414 = arith.constant 0 : i32
      %dma_wait3A_415 = tpu.memref_slice %arg5[%add3A_186, %dma_wait3A_414] : memref<100x128xi32, #tpu.memory_space<vmem>> -> memref<1x128xi32, #tpu.memory_space<vmem>>
      %dma_wait3A_416 = tpu.memref_squeeze %dma_wait3A_415 : memref<1x128xi32, #tpu.memory_space<vmem>> -> memref<128xi32, #tpu.memory_space<vmem>>
      %dma_wait3A_417 = arith.constant 0 : i32
      %dma_wait3A_418 = arith.constant 0 : i32
      %dma_wait3A_419 = tpu.memref_slice %arg2[%dma_wait3A_417, %dma_wait3A_418] : memref<114688x64xf32, #tpu.memory_space<hbm>> -> memref<114688x64xf32, #tpu.memory_space<hbm>>
      %dma_wait3A_420 = tpu.memref_slice %arg7[%dma_wait3A_410] : memref<10x!tpu.dma_semaphore, #tpu.memory_space<semaphore_mem>> -> memref<1x!tpu.dma_semaphore, #tpu.memory_space<semaphore_mem>>
      %dma_wait3A_421 = tpu.memref_squeeze %dma_wait3A_420 : memref<1x!tpu.dma_semaphore, #tpu.memory_space<semaphore_mem>> -> memref<!tpu.dma_semaphore, #tpu.memory_space<semaphore_mem>>
      tpu.wait_indirect_dma semaphore(%dma_wait3A_421 : memref<!tpu.dma_semaphore, #tpu.memory_space<semaphore_mem>>) src(%dma_wait3A_419 : memref<114688x64xf32, #tpu.memory_space<hbm>>) dst(%dma_wait3A_413 : memref<128x64xf32, #tpu.memory_space<vmem>>)
      %mul3A_422 = arith.constant 10 : i32
      %mul3A_423 = arith.muli %scan3A_139, %mul3A_422 : i32
      %add3A_424 = arith.constant 2 : i32
      %add3A_425 = arith.addi %mul3A_423, %add3A_424 : i32
      %mul3A_426 = arith.constant 128 : i32
      %mul3A_427 = arith.muli %add3A_425, %mul3A_426 : i32
      %add3A_428 = arith.addi %mul3A_2, %mul3A_427 : i32
      %dma_start3A_429 = arith.constant 2 : i32
      %dma_start3A_430 = arith.constant 256 : i32
      %dma_start3A_431 = arith.constant 0 : i32
      %dma_start3A_432 = tpu.memref_slice %arg6[%dma_start3A_430, %dma_start3A_431] : memref<1280x64xf32, #tpu.memory_space<vmem>> -> memref<128x64xf32, #tpu.memory_space<vmem>>
      %dma_start3A_433 = arith.constant 0 : i32
      %dma_start3A_434 = tpu.memref_slice %arg4[%add3A_428, %dma_start3A_433] : memref<409600x64xf32, #tpu.memory_space<hbm>> -> memref<128x64xf32, #tpu.memory_space<hbm>>
      %dma_start3A_435 = tpu.memref_slice %arg8[%dma_start3A_429] : memref<10x!tpu.dma_semaphore, #tpu.memory_space<semaphore_mem>> -> memref<1x!tpu.dma_semaphore, #tpu.memory_space<semaphore_mem>>
      %dma_start3A_436 = tpu.memref_squeeze %dma_start3A_435 : memref<1x!tpu.dma_semaphore, #tpu.memory_space<semaphore_mem>> -> memref<!tpu.dma_semaphore, #tpu.memory_space<semaphore_mem>>
      %dma_start3A_437 = arith.constant 0 : i32
      %dma_start3A_438 = tpu.memref_slice %arg4[%add3A_428, %dma_start3A_437] : memref<409600x64xf32, #tpu.memory_space<hbm>> -> memref<128x64xf32, #tpu.memory_space<hbm>>
      %dma_start3A_439 = arith.constant 256 : i32
      %dma_start3A_440 = arith.constant 0 : i32
      %dma_start3A_441 = tpu.memref_slice %arg6[%dma_start3A_439, %dma_start3A_440] : memref<1280x64xf32, #tpu.memory_space<vmem>> -> memref<128x64xf32, #tpu.memory_space<vmem>>
      tpu.enqueue_dma source(%dma_start3A_441 : memref<128x64xf32, #tpu.memory_space<vmem>>) target(%dma_start3A_438 : memref<128x64xf32, #tpu.memory_space<hbm>>) target_semaphore(%dma_start3A_436 : memref<!tpu.dma_semaphore, #tpu.memory_space<semaphore_mem>>)
      %dma_wait3A_442 = arith.constant 3 : i32
      %dma_wait3A_443 = arith.constant 384 : i32
      %dma_wait3A_444 = arith.constant 0 : i32
      %dma_wait3A_445 = tpu.memref_slice %arg6[%dma_wait3A_443, %dma_wait3A_444] : memref<1280x64xf32, #tpu.memory_space<vmem>> -> memref<128x64xf32, #tpu.memory_space<vmem>>
      %dma_wait3A_446 = arith.constant 0 : i32
      %dma_wait3A_447 = tpu.memref_slice %arg5[%add3A_207, %dma_wait3A_446] : memref<100x128xi32, #tpu.memory_space<vmem>> -> memref<1x128xi32, #tpu.memory_space<vmem>>
      %dma_wait3A_448 = tpu.memref_squeeze %dma_wait3A_447 : memref<1x128xi32, #tpu.memory_space<vmem>> -> memref<128xi32, #tpu.memory_space<vmem>>
      %dma_wait3A_449 = arith.constant 0 : i32
      %dma_wait3A_450 = arith.constant 0 : i32
      %dma_wait3A_451 = tpu.memref_slice %arg2[%dma_wait3A_449, %dma_wait3A_450] : memref<114688x64xf32, #tpu.memory_space<hbm>> -> memref<114688x64xf32, #tpu.memory_space<hbm>>
      %dma_wait3A_452 = tpu.memref_slice %arg7[%dma_wait3A_442] : memref<10x!tpu.dma_semaphore, #tpu.memory_space<semaphore_mem>> -> memref<1x!tpu.dma_semaphore, #tpu.memory_space<semaphore_mem>>
      %dma_wait3A_453 = tpu.memref_squeeze %dma_wait3A_452 : memref<1x!tpu.dma_semaphore, #tpu.memory_space<semaphore_mem>> -> memref<!tpu.dma_semaphore, #tpu.memory_space<semaphore_mem>>
      tpu.wait_indirect_dma semaphore(%dma_wait3A_453 : memref<!tpu.dma_semaphore, #tpu.memory_space<semaphore_mem>>) src(%dma_wait3A_451 : memref<114688x64xf32, #tpu.memory_space<hbm>>) dst(%dma_wait3A_445 : memref<128x64xf32, #tpu.memory_space<vmem>>)
      %mul3A_454 = arith.constant 10 : i32
      %mul3A_455 = arith.muli %scan3A_139, %mul3A_454 : i32
      %add3A_456 = arith.constant 3 : i32
      %add3A_457 = arith.addi %mul3A_455, %add3A_456 : i32
      %mul3A_458 = arith.constant 128 : i32
      %mul3A_459 = arith.muli %add3A_457, %mul3A_458 : i32
      %add3A_460 = arith.addi %mul3A_2, %mul3A_459 : i32
      %dma_start3A_461 = arith.constant 3 : i32
      %dma_start3A_462 = arith.constant 384 : i32
      %dma_start3A_463 = arith.constant 0 : i32
      %dma_start3A_464 = tpu.memref_slice %arg6[%dma_start3A_462, %dma_start3A_463] : memref<1280x64xf32, #tpu.memory_space<vmem>> -> memref<128x64xf32, #tpu.memory_space<vmem>>
      %dma_start3A_465 = arith.constant 0 : i32
      %dma_start3A_466 = tpu.memref_slice %arg4[%add3A_460, %dma_start3A_465] : memref<409600x64xf32, #tpu.memory_space<hbm>> -> memref<128x64xf32, #tpu.memory_space<hbm>>
      %dma_start3A_467 = tpu.memref_slice %arg8[%dma_start3A_461] : memref<10x!tpu.dma_semaphore, #tpu.memory_space<semaphore_mem>> -> memref<1x!tpu.dma_semaphore, #tpu.memory_space<semaphore_mem>>
      %dma_start3A_468 = tpu.memref_squeeze %dma_start3A_467 : memref<1x!tpu.dma_semaphore, #tpu.memory_space<semaphore_mem>> -> memref<!tpu.dma_semaphore, #tpu.memory_space<semaphore_mem>>
      %dma_start3A_469 = arith.constant 0 : i32
      %dma_start3A_470 = tpu.memref_slice %arg4[%add3A_460, %dma_start3A_469] : memref<409600x64xf32, #tpu.memory_space<hbm>> -> memref<128x64xf32, #tpu.memory_space<hbm>>
      %dma_start3A_471 = arith.constant 384 : i32
      %dma_start3A_472 = arith.constant 0 : i32
      %dma_start3A_473 = tpu.memref_slice %arg6[%dma_start3A_471, %dma_start3A_472] : memref<1280x64xf32, #tpu.memory_space<vmem>> -> memref<128x64xf32, #tpu.memory_space<vmem>>
      tpu.enqueue_dma source(%dma_start3A_473 : memref<128x64xf32, #tpu.memory_space<vmem>>) target(%dma_start3A_470 : memref<128x64xf32, #tpu.memory_space<hbm>>) target_semaphore(%dma_start3A_468 : memref<!tpu.dma_semaphore, #tpu.memory_space<semaphore_mem>>)
      %dma_wait3A_474 = arith.constant 4 : i32
      %dma_wait3A_475 = arith.constant 512 : i32
      %dma_wait3A_476 = arith.constant 0 : i32
      %dma_wait3A_477 = tpu.memref_slice %arg6[%dma_wait3A_475, %dma_wait3A_476] : memref<1280x64xf32, #tpu.memory_space<vmem>> -> memref<128x64xf32, #tpu.memory_space<vmem>>
      %dma_wait3A_478 = arith.constant 0 : i32
      %dma_wait3A_479 = tpu.memref_slice %arg5[%add3A_228, %dma_wait3A_478] : memref<100x128xi32, #tpu.memory_space<vmem>> -> memref<1x128xi32, #tpu.memory_space<vmem>>
      %dma_wait3A_480 = tpu.memref_squeeze %dma_wait3A_479 : memref<1x128xi32, #tpu.memory_space<vmem>> -> memref<128xi32, #tpu.memory_space<vmem>>
      %dma_wait3A_481 = arith.constant 0 : i32
      %dma_wait3A_482 = arith.constant 0 : i32
      %dma_wait3A_483 = tpu.memref_slice %arg2[%dma_wait3A_481, %dma_wait3A_482] : memref<114688x64xf32, #tpu.memory_space<hbm>> -> memref<114688x64xf32, #tpu.memory_space<hbm>>
      %dma_wait3A_484 = tpu.memref_slice %arg7[%dma_wait3A_474] : memref<10x!tpu.dma_semaphore, #tpu.memory_space<semaphore_mem>> -> memref<1x!tpu.dma_semaphore, #tpu.memory_space<semaphore_mem>>
      %dma_wait3A_485 = tpu.memref_squeeze %dma_wait3A_484 : memref<1x!tpu.dma_semaphore, #tpu.memory_space<semaphore_mem>> -> memref<!tpu.dma_semaphore, #tpu.memory_space<semaphore_mem>>
      tpu.wait_indirect_dma semaphore(%dma_wait3A_485 : memref<!tpu.dma_semaphore, #tpu.memory_space<semaphore_mem>>) src(%dma_wait3A_483 : memref<114688x64xf32, #tpu.memory_space<hbm>>) dst(%dma_wait3A_477 : memref<128x64xf32, #tpu.memory_space<vmem>>)
      %mul3A_486 = arith.constant 10 : i32
      %mul3A_487 = arith.muli %scan3A_139, %mul3A_486 : i32
      %add3A_488 = arith.constant 4 : i32
      %add3A_489 = arith.addi %mul3A_487, %add3A_488 : i32
      %mul3A_490 = arith.constant 128 : i32
      %mul3A_491 = arith.muli %add3A_489, %mul3A_490 : i32
      %add3A_492 = arith.addi %mul3A_2, %mul3A_491 : i32
      %dma_start3A_493 = arith.constant 4 : i32
      %dma_start3A_494 = arith.constant 512 : i32
      %dma_start3A_495 = arith.constant 0 : i32
      %dma_start3A_496 = tpu.memref_slice %arg6[%dma_start3A_494, %dma_start3A_495] : memref<1280x64xf32, #tpu.memory_space<vmem>> -> memref<128x64xf32, #tpu.memory_space<vmem>>
      %dma_start3A_497 = arith.constant 0 : i32
      %dma_start3A_498 = tpu.memref_slice %arg4[%add3A_492, %dma_start3A_497] : memref<409600x64xf32, #tpu.memory_space<hbm>> -> memref<128x64xf32, #tpu.memory_space<hbm>>
      %dma_start3A_499 = tpu.memref_slice %arg8[%dma_start3A_493] : memref<10x!tpu.dma_semaphore, #tpu.memory_space<semaphore_mem>> -> memref<1x!tpu.dma_semaphore, #tpu.memory_space<semaphore_mem>>
      %dma_start3A_500 = tpu.memref_squeeze %dma_start3A_499 : memref<1x!tpu.dma_semaphore, #tpu.memory_space<semaphore_mem>> -> memref<!tpu.dma_semaphore, #tpu.memory_space<semaphore_mem>>
      %dma_start3A_501 = arith.constant 0 : i32
      %dma_start3A_502 = tpu.memref_slice %arg4[%add3A_492, %dma_start3A_501] : memref<409600x64xf32, #tpu.memory_space<hbm>> -> memref<128x64xf32, #tpu.memory_space<hbm>>
      %dma_start3A_503 = arith.constant 512 : i32
      %dma_start3A_504 = arith.constant 0 : i32
      %dma_start3A_505 = tpu.memref_slice %arg6[%dma_start3A_503, %dma_start3A_504] : memref<1280x64xf32, #tpu.memory_space<vmem>> -> memref<128x64xf32, #tpu.memory_space<vmem>>
      tpu.enqueue_dma source(%dma_start3A_505 : memref<128x64xf32, #tpu.memory_space<vmem>>) target(%dma_start3A_502 : memref<128x64xf32, #tpu.memory_space<hbm>>) target_semaphore(%dma_start3A_500 : memref<!tpu.dma_semaphore, #tpu.memory_space<semaphore_mem>>)
      %dma_wait3A_506 = arith.constant 5 : i32
      %dma_wait3A_507 = arith.constant 640 : i32
      %dma_wait3A_508 = arith.constant 0 : i32
      %dma_wait3A_509 = tpu.memref_slice %arg6[%dma_wait3A_507, %dma_wait3A_508] : memref<1280x64xf32, #tpu.memory_space<vmem>> -> memref<128x64xf32, #tpu.memory_space<vmem>>
      %dma_wait3A_510 = arith.constant 0 : i32
      %dma_wait3A_511 = tpu.memref_slice %arg5[%add3A_249, %dma_wait3A_510] : memref<100x128xi32, #tpu.memory_space<vmem>> -> memref<1x128xi32, #tpu.memory_space<vmem>>
      %dma_wait3A_512 = tpu.memref_squeeze %dma_wait3A_511 : memref<1x128xi32, #tpu.memory_space<vmem>> -> memref<128xi32, #tpu.memory_space<vmem>>
      %dma_wait3A_513 = arith.constant 0 : i32
      %dma_wait3A_514 = arith.constant 0 : i32
      %dma_wait3A_515 = tpu.memref_slice %arg2[%dma_wait3A_513, %dma_wait3A_514] : memref<114688x64xf32, #tpu.memory_space<hbm>> -> memref<114688x64xf32, #tpu.memory_space<hbm>>
      %dma_wait3A_516 = tpu.memref_slice %arg7[%dma_wait3A_506] : memref<10x!tpu.dma_semaphore, #tpu.memory_space<semaphore_mem>> -> memref<1x!tpu.dma_semaphore, #tpu.memory_space<semaphore_mem>>
      %dma_wait3A_517 = tpu.memref_squeeze %dma_wait3A_516 : memref<1x!tpu.dma_semaphore, #tpu.memory_space<semaphore_mem>> -> memref<!tpu.dma_semaphore, #tpu.memory_space<semaphore_mem>>
      tpu.wait_indirect_dma semaphore(%dma_wait3A_517 : memref<!tpu.dma_semaphore, #tpu.memory_space<semaphore_mem>>) src(%dma_wait3A_515 : memref<114688x64xf32, #tpu.memory_space<hbm>>) dst(%dma_wait3A_509 : memref<128x64xf32, #tpu.memory_space<vmem>>)
      %mul3A_518 = arith.constant 10 : i32
      %mul3A_519 = arith.muli %scan3A_139, %mul3A_518 : i32
      %add3A_520 = arith.constant 5 : i32
      %add3A_521 = arith.addi %mul3A_519, %add3A_520 : i32
      %mul3A_522 = arith.constant 128 : i32
      %mul3A_523 = arith.muli %add3A_521, %mul3A_522 : i32
      %add3A_524 = arith.addi %mul3A_2, %mul3A_523 : i32
      %dma_start3A_525 = arith.constant 5 : i32
      %dma_start3A_526 = arith.constant 640 : i32
      %dma_start3A_527 = arith.constant 0 : i32
      %dma_start3A_528 = tpu.memref_slice %arg6[%dma_start3A_526, %dma_start3A_527] : memref<1280x64xf32, #tpu.memory_space<vmem>> -> memref<128x64xf32, #tpu.memory_space<vmem>>
      %dma_start3A_529 = arith.constant 0 : i32
      %dma_start3A_530 = tpu.memref_slice %arg4[%add3A_524, %dma_start3A_529] : memref<409600x64xf32, #tpu.memory_space<hbm>> -> memref<128x64xf32, #tpu.memory_space<hbm>>
      %dma_start3A_531 = tpu.memref_slice %arg8[%dma_start3A_525] : memref<10x!tpu.dma_semaphore, #tpu.memory_space<semaphore_mem>> -> memref<1x!tpu.dma_semaphore, #tpu.memory_space<semaphore_mem>>
      %dma_start3A_532 = tpu.memref_squeeze %dma_start3A_531 : memref<1x!tpu.dma_semaphore, #tpu.memory_space<semaphore_mem>> -> memref<!tpu.dma_semaphore, #tpu.memory_space<semaphore_mem>>
      %dma_start3A_533 = arith.constant 0 : i32
      %dma_start3A_534 = tpu.memref_slice %arg4[%add3A_524, %dma_start3A_533] : memref<409600x64xf32, #tpu.memory_space<hbm>> -> memref<128x64xf32, #tpu.memory_space<hbm>>
      %dma_start3A_535 = arith.constant 640 : i32
      %dma_start3A_536 = arith.constant 0 : i32
      %dma_start3A_537 = tpu.memref_slice %arg6[%dma_start3A_535, %dma_start3A_536] : memref<1280x64xf32, #tpu.memory_space<vmem>> -> memref<128x64xf32, #tpu.memory_space<vmem>>
      tpu.enqueue_dma source(%dma_start3A_537 : memref<128x64xf32, #tpu.memory_space<vmem>>) target(%dma_start3A_534 : memref<128x64xf32, #tpu.memory_space<hbm>>) target_semaphore(%dma_start3A_532 : memref<!tpu.dma_semaphore, #tpu.memory_space<semaphore_mem>>)
      %dma_wait3A_538 = arith.constant 6 : i32
      %dma_wait3A_539 = arith.constant 768 : i32
      %dma_wait3A_540 = arith.constant 0 : i32
      %dma_wait3A_541 = tpu.memref_slice %arg6[%dma_wait3A_539, %dma_wait3A_540] : memref<1280x64xf32, #tpu.memory_space<vmem>> -> memref<128x64xf32, #tpu.memory_space<vmem>>
      %dma_wait3A_542 = arith.constant 0 : i32
      %dma_wait3A_543 = tpu.memref_slice %arg5[%add3A_270, %dma_wait3A_542] : memref<100x128xi32, #tpu.memory_space<vmem>> -> memref<1x128xi32, #tpu.memory_space<vmem>>
      %dma_wait3A_544 = tpu.memref_squeeze %dma_wait3A_543 : memref<1x128xi32, #tpu.memory_space<vmem>> -> memref<128xi32, #tpu.memory_space<vmem>>
      %dma_wait3A_545 = arith.constant 0 : i32
      %dma_wait3A_546 = arith.constant 0 : i32
      %dma_wait3A_547 = tpu.memref_slice %arg2[%dma_wait3A_545, %dma_wait3A_546] : memref<114688x64xf32, #tpu.memory_space<hbm>> -> memref<114688x64xf32, #tpu.memory_space<hbm>>
      %dma_wait3A_548 = tpu.memref_slice %arg7[%dma_wait3A_538] : memref<10x!tpu.dma_semaphore, #tpu.memory_space<semaphore_mem>> -> memref<1x!tpu.dma_semaphore, #tpu.memory_space<semaphore_mem>>
      %dma_wait3A_549 = tpu.memref_squeeze %dma_wait3A_548 : memref<1x!tpu.dma_semaphore, #tpu.memory_space<semaphore_mem>> -> memref<!tpu.dma_semaphore, #tpu.memory_space<semaphore_mem>>
      tpu.wait_indirect_dma semaphore(%dma_wait3A_549 : memref<!tpu.dma_semaphore, #tpu.memory_space<semaphore_mem>>) src(%dma_wait3A_547 : memref<114688x64xf32, #tpu.memory_space<hbm>>) dst(%dma_wait3A_541 : memref<128x64xf32, #tpu.memory_space<vmem>>)
      %mul3A_550 = arith.constant 10 : i32
      %mul3A_551 = arith.muli %scan3A_139, %mul3A_550 : i32
      %add3A_552 = arith.constant 6 : i32
      %add3A_553 = arith.addi %mul3A_551, %add3A_552 : i32
      %mul3A_554 = arith.constant 128 : i32
      %mul3A_555 = arith.muli %add3A_553, %mul3A_554 : i32
      %add3A_556 = arith.addi %mul3A_2, %mul3A_555 : i32
      %dma_start3A_557 = arith.constant 6 : i32
      %dma_start3A_558 = arith.constant 768 : i32
      %dma_start3A_559 = arith.constant 0 : i32
      %dma_start3A_560 = tpu.memref_slice %arg6[%dma_start3A_558, %dma_start3A_559] : memref<1280x64xf32, #tpu.memory_space<vmem>> -> memref<128x64xf32, #tpu.memory_space<vmem>>
      %dma_start3A_561 = arith.constant 0 : i32
      %dma_start3A_562 = tpu.memref_slice %arg4[%add3A_556, %dma_start3A_561] : memref<409600x64xf32, #tpu.memory_space<hbm>> -> memref<128x64xf32, #tpu.memory_space<hbm>>
      %dma_start3A_563 = tpu.memref_slice %arg8[%dma_start3A_557] : memref<10x!tpu.dma_semaphore, #tpu.memory_space<semaphore_mem>> -> memref<1x!tpu.dma_semaphore, #tpu.memory_space<semaphore_mem>>
      %dma_start3A_564 = tpu.memref_squeeze %dma_start3A_563 : memref<1x!tpu.dma_semaphore, #tpu.memory_space<semaphore_mem>> -> memref<!tpu.dma_semaphore, #tpu.memory_space<semaphore_mem>>
      %dma_start3A_565 = arith.constant 0 : i32
      %dma_start3A_566 = tpu.memref_slice %arg4[%add3A_556, %dma_start3A_565] : memref<409600x64xf32, #tpu.memory_space<hbm>> -> memref<128x64xf32, #tpu.memory_space<hbm>>
      %dma_start3A_567 = arith.constant 768 : i32
      %dma_start3A_568 = arith.constant 0 : i32
      %dma_start3A_569 = tpu.memref_slice %arg6[%dma_start3A_567, %dma_start3A_568] : memref<1280x64xf32, #tpu.memory_space<vmem>> -> memref<128x64xf32, #tpu.memory_space<vmem>>
      tpu.enqueue_dma source(%dma_start3A_569 : memref<128x64xf32, #tpu.memory_space<vmem>>) target(%dma_start3A_566 : memref<128x64xf32, #tpu.memory_space<hbm>>) target_semaphore(%dma_start3A_564 : memref<!tpu.dma_semaphore, #tpu.memory_space<semaphore_mem>>)
      %dma_wait3A_570 = arith.constant 7 : i32
      %dma_wait3A_571 = arith.constant 896 : i32
      %dma_wait3A_572 = arith.constant 0 : i32
      %dma_wait3A_573 = tpu.memref_slice %arg6[%dma_wait3A_571, %dma_wait3A_572] : memref<1280x64xf32, #tpu.memory_space<vmem>> -> memref<128x64xf32, #tpu.memory_space<vmem>>
      %dma_wait3A_574 = arith.constant 0 : i32
      %dma_wait3A_575 = tpu.memref_slice %arg5[%add3A_291, %dma_wait3A_574] : memref<100x128xi32, #tpu.memory_space<vmem>> -> memref<1x128xi32, #tpu.memory_space<vmem>>
      %dma_wait3A_576 = tpu.memref_squeeze %dma_wait3A_575 : memref<1x128xi32, #tpu.memory_space<vmem>> -> memref<128xi32, #tpu.memory_space<vmem>>
      %dma_wait3A_577 = arith.constant 0 : i32
      %dma_wait3A_578 = arith.constant 0 : i32
      %dma_wait3A_579 = tpu.memref_slice %arg2[%dma_wait3A_577, %dma_wait3A_578] : memref<114688x64xf32, #tpu.memory_space<hbm>> -> memref<114688x64xf32, #tpu.memory_space<hbm>>
      %dma_wait3A_580 = tpu.memref_slice %arg7[%dma_wait3A_570] : memref<10x!tpu.dma_semaphore, #tpu.memory_space<semaphore_mem>> -> memref<1x!tpu.dma_semaphore, #tpu.memory_space<semaphore_mem>>
      %dma_wait3A_581 = tpu.memref_squeeze %dma_wait3A_580 : memref<1x!tpu.dma_semaphore, #tpu.memory_space<semaphore_mem>> -> memref<!tpu.dma_semaphore, #tpu.memory_space<semaphore_mem>>
      tpu.wait_indirect_dma semaphore(%dma_wait3A_581 : memref<!tpu.dma_semaphore, #tpu.memory_space<semaphore_mem>>) src(%dma_wait3A_579 : memref<114688x64xf32, #tpu.memory_space<hbm>>) dst(%dma_wait3A_573 : memref<128x64xf32, #tpu.memory_space<vmem>>)
      %mul3A_582 = arith.constant 10 : i32
      %mul3A_583 = arith.muli %scan3A_139, %mul3A_582 : i32
      %add3A_584 = arith.constant 7 : i32
      %add3A_585 = arith.addi %mul3A_583, %add3A_584 : i32
      %mul3A_586 = arith.constant 128 : i32
      %mul3A_587 = arith.muli %add3A_585, %mul3A_586 : i32
      %add3A_588 = arith.addi %mul3A_2, %mul3A_587 : i32
      %dma_start3A_589 = arith.constant 7 : i32
      %dma_start3A_590 = arith.constant 896 : i32
      %dma_start3A_591 = arith.constant 0 : i32
      %dma_start3A_592 = tpu.memref_slice %arg6[%dma_start3A_590, %dma_start3A_591] : memref<1280x64xf32, #tpu.memory_space<vmem>> -> memref<128x64xf32, #tpu.memory_space<vmem>>
      %dma_start3A_593 = arith.constant 0 : i32
      %dma_start3A_594 = tpu.memref_slice %arg4[%add3A_588, %dma_start3A_593] : memref<409600x64xf32, #tpu.memory_space<hbm>> -> memref<128x64xf32, #tpu.memory_space<hbm>>
      %dma_start3A_595 = tpu.memref_slice %arg8[%dma_start3A_589] : memref<10x!tpu.dma_semaphore, #tpu.memory_space<semaphore_mem>> -> memref<1x!tpu.dma_semaphore, #tpu.memory_space<semaphore_mem>>
      %dma_start3A_596 = tpu.memref_squeeze %dma_start3A_595 : memref<1x!tpu.dma_semaphore, #tpu.memory_space<semaphore_mem>> -> memref<!tpu.dma_semaphore, #tpu.memory_space<semaphore_mem>>
      %dma_start3A_597 = arith.constant 0 : i32
      %dma_start3A_598 = tpu.memref_slice %arg4[%add3A_588, %dma_start3A_597] : memref<409600x64xf32, #tpu.memory_space<hbm>> -> memref<128x64xf32, #tpu.memory_space<hbm>>
      %dma_start3A_599 = arith.constant 896 : i32
      %dma_start3A_600 = arith.constant 0 : i32
      %dma_start3A_601 = tpu.memref_slice %arg6[%dma_start3A_599, %dma_start3A_600] : memref<1280x64xf32, #tpu.memory_space<vmem>> -> memref<128x64xf32, #tpu.memory_space<vmem>>
      tpu.enqueue_dma source(%dma_start3A_601 : memref<128x64xf32, #tpu.memory_space<vmem>>) target(%dma_start3A_598 : memref<128x64xf32, #tpu.memory_space<hbm>>) target_semaphore(%dma_start3A_596 : memref<!tpu.dma_semaphore, #tpu.memory_space<semaphore_mem>>)
      %dma_wait3A_602 = arith.constant 8 : i32
      %dma_wait3A_603 = arith.constant 1024 : i32
      %dma_wait3A_604 = arith.constant 0 : i32
      %dma_wait3A_605 = tpu.memref_slice %arg6[%dma_wait3A_603, %dma_wait3A_604] : memref<1280x64xf32, #tpu.memory_space<vmem>> -> memref<128x64xf32, #tpu.memory_space<vmem>>
      %dma_wait3A_606 = arith.constant 0 : i32
      %dma_wait3A_607 = tpu.memref_slice %arg5[%add3A_312, %dma_wait3A_606] : memref<100x128xi32, #tpu.memory_space<vmem>> -> memref<1x128xi32, #tpu.memory_space<vmem>>
      %dma_wait3A_608 = tpu.memref_squeeze %dma_wait3A_607 : memref<1x128xi32, #tpu.memory_space<vmem>> -> memref<128xi32, #tpu.memory_space<vmem>>
      %dma_wait3A_609 = arith.constant 0 : i32
      %dma_wait3A_610 = arith.constant 0 : i32
      %dma_wait3A_611 = tpu.memref_slice %arg2[%dma_wait3A_609, %dma_wait3A_610] : memref<114688x64xf32, #tpu.memory_space<hbm>> -> memref<114688x64xf32, #tpu.memory_space<hbm>>
      %dma_wait3A_612 = tpu.memref_slice %arg7[%dma_wait3A_602] : memref<10x!tpu.dma_semaphore, #tpu.memory_space<semaphore_mem>> -> memref<1x!tpu.dma_semaphore, #tpu.memory_space<semaphore_mem>>
      %dma_wait3A_613 = tpu.memref_squeeze %dma_wait3A_612 : memref<1x!tpu.dma_semaphore, #tpu.memory_space<semaphore_mem>> -> memref<!tpu.dma_semaphore, #tpu.memory_space<semaphore_mem>>
      tpu.wait_indirect_dma semaphore(%dma_wait3A_613 : memref<!tpu.dma_semaphore, #tpu.memory_space<semaphore_mem>>) src(%dma_wait3A_611 : memref<114688x64xf32, #tpu.memory_space<hbm>>) dst(%dma_wait3A_605 : memref<128x64xf32, #tpu.memory_space<vmem>>)
      %mul3A_614 = arith.constant 10 : i32
      %mul3A_615 = arith.muli %scan3A_139, %mul3A_614 : i32
      %add3A_616 = arith.constant 8 : i32
      %add3A_617 = arith.addi %mul3A_615, %add3A_616 : i32
      %mul3A_618 = arith.constant 128 : i32
      %mul3A_619 = arith.muli %add3A_617, %mul3A_618 : i32
      %add3A_620 = arith.addi %mul3A_2, %mul3A_619 : i32
      %dma_start3A_621 = arith.constant 8 : i32
      %dma_start3A_622 = arith.constant 1024 : i32
      %dma_start3A_623 = arith.constant 0 : i32
      %dma_start3A_624 = tpu.memref_slice %arg6[%dma_start3A_622, %dma_start3A_623] : memref<1280x64xf32, #tpu.memory_space<vmem>> -> memref<128x64xf32, #tpu.memory_space<vmem>>
      %dma_start3A_625 = arith.constant 0 : i32
      %dma_start3A_626 = tpu.memref_slice %arg4[%add3A_620, %dma_start3A_625] : memref<409600x64xf32, #tpu.memory_space<hbm>> -> memref<128x64xf32, #tpu.memory_space<hbm>>
      %dma_start3A_627 = tpu.memref_slice %arg8[%dma_start3A_621] : memref<10x!tpu.dma_semaphore, #tpu.memory_space<semaphore_mem>> -> memref<1x!tpu.dma_semaphore, #tpu.memory_space<semaphore_mem>>
      %dma_start3A_628 = tpu.memref_squeeze %dma_start3A_627 : memref<1x!tpu.dma_semaphore, #tpu.memory_space<semaphore_mem>> -> memref<!tpu.dma_semaphore, #tpu.memory_space<semaphore_mem>>
      %dma_start3A_629 = arith.constant 0 : i32
      %dma_start3A_630 = tpu.memref_slice %arg4[%add3A_620, %dma_start3A_629] : memref<409600x64xf32, #tpu.memory_space<hbm>> -> memref<128x64xf32, #tpu.memory_space<hbm>>
      %dma_start3A_631 = arith.constant 1024 : i32
      %dma_start3A_632 = arith.constant 0 : i32
      %dma_start3A_633 = tpu.memref_slice %arg6[%dma_start3A_631, %dma_start3A_632] : memref<1280x64xf32, #tpu.memory_space<vmem>> -> memref<128x64xf32, #tpu.memory_space<vmem>>
      tpu.enqueue_dma source(%dma_start3A_633 : memref<128x64xf32, #tpu.memory_space<vmem>>) target(%dma_start3A_630 : memref<128x64xf32, #tpu.memory_space<hbm>>) target_semaphore(%dma_start3A_628 : memref<!tpu.dma_semaphore, #tpu.memory_space<semaphore_mem>>)
      %dma_wait3A_634 = arith.constant 9 : i32
      %dma_wait3A_635 = arith.constant 1152 : i32
      %dma_wait3A_636 = arith.constant 0 : i32
      %dma_wait3A_637 = tpu.memref_slice %arg6[%dma_wait3A_635, %dma_wait3A_636] : memref<1280x64xf32, #tpu.memory_space<vmem>> -> memref<128x64xf32, #tpu.memory_space<vmem>>
      %dma_wait3A_638 = arith.constant 0 : i32
      %dma_wait3A_639 = tpu.memref_slice %arg5[%add3A_333, %dma_wait3A_638] : memref<100x128xi32, #tpu.memory_space<vmem>> -> memref<1x128xi32, #tpu.memory_space<vmem>>
      %dma_wait3A_640 = tpu.memref_squeeze %dma_wait3A_639 : memref<1x128xi32, #tpu.memory_space<vmem>> -> memref<128xi32, #tpu.memory_space<vmem>>
      %dma_wait3A_641 = arith.constant 0 : i32
      %dma_wait3A_642 = arith.constant 0 : i32
      %dma_wait3A_643 = tpu.memref_slice %arg2[%dma_wait3A_641, %dma_wait3A_642] : memref<114688x64xf32, #tpu.memory_space<hbm>> -> memref<114688x64xf32, #tpu.memory_space<hbm>>
      %dma_wait3A_644 = tpu.memref_slice %arg7[%dma_wait3A_634] : memref<10x!tpu.dma_semaphore, #tpu.memory_space<semaphore_mem>> -> memref<1x!tpu.dma_semaphore, #tpu.memory_space<semaphore_mem>>
      %dma_wait3A_645 = tpu.memref_squeeze %dma_wait3A_644 : memref<1x!tpu.dma_semaphore, #tpu.memory_space<semaphore_mem>> -> memref<!tpu.dma_semaphore, #tpu.memory_space<semaphore_mem>>
      tpu.wait_indirect_dma semaphore(%dma_wait3A_645 : memref<!tpu.dma_semaphore, #tpu.memory_space<semaphore_mem>>) src(%dma_wait3A_643 : memref<114688x64xf32, #tpu.memory_space<hbm>>) dst(%dma_wait3A_637 : memref<128x64xf32, #tpu.memory_space<vmem>>)
      %mul3A_646 = arith.constant 10 : i32
      %mul3A_647 = arith.muli %scan3A_139, %mul3A_646 : i32
      %add3A_648 = arith.constant 9 : i32
      %add3A_649 = arith.addi %mul3A_647, %add3A_648 : i32
      %mul3A_650 = arith.constant 128 : i32
      %mul3A_651 = arith.muli %add3A_649, %mul3A_650 : i32
      %add3A_652 = arith.addi %mul3A_2, %mul3A_651 : i32
      %dma_start3A_653 = arith.constant 9 : i32
      %dma_start3A_654 = arith.constant 1152 : i32
      %dma_start3A_655 = arith.constant 0 : i32
      %dma_start3A_656 = tpu.memref_slice %arg6[%dma_start3A_654, %dma_start3A_655] : memref<1280x64xf32, #tpu.memory_space<vmem>> -> memref<128x64xf32, #tpu.memory_space<vmem>>
      %dma_start3A_657 = arith.constant 0 : i32
      %dma_start3A_658 = tpu.memref_slice %arg4[%add3A_652, %dma_start3A_657] : memref<409600x64xf32, #tpu.memory_space<hbm>> -> memref<128x64xf32, #tpu.memory_space<hbm>>
      %dma_start3A_659 = tpu.memref_slice %arg8[%dma_start3A_653] : memref<10x!tpu.dma_semaphore, #tpu.memory_space<semaphore_mem>> -> memref<1x!tpu.dma_semaphore, #tpu.memory_space<semaphore_mem>>
      %dma_start3A_660 = tpu.memref_squeeze %dma_start3A_659 : memref<1x!tpu.dma_semaphore, #tpu.memory_space<semaphore_mem>> -> memref<!tpu.dma_semaphore, #tpu.memory_space<semaphore_mem>>
      %dma_start3A_661 = arith.constant 0 : i32
      %dma_start3A_662 = tpu.memref_slice %arg4[%add3A_652, %dma_start3A_661] : memref<409600x64xf32, #tpu.memory_space<hbm>> -> memref<128x64xf32, #tpu.memory_space<hbm>>
      %dma_start3A_663 = arith.constant 1152 : i32
      %dma_start3A_664 = arith.constant 0 : i32
      %dma_start3A_665 = tpu.memref_slice %arg6[%dma_start3A_663, %dma_start3A_664] : memref<1280x64xf32, #tpu.memory_space<vmem>> -> memref<128x64xf32, #tpu.memory_space<vmem>>
      tpu.enqueue_dma source(%dma_start3A_665 : memref<128x64xf32, #tpu.memory_space<vmem>>) target(%dma_start3A_662 : memref<128x64xf32, #tpu.memory_space<hbm>>) target_semaphore(%dma_start3A_660 : memref<!tpu.dma_semaphore, #tpu.memory_space<semaphore_mem>>)
    }
    %scan3A_9 = arith.constant 10 : i32
    %dma_wait3A = arith.constant 0 : i32
    %dma_wait3A_10 = arith.constant 0 : i32
    %dma_wait3A_11 = arith.constant 0 : i32
    %dma_wait3A_12 = tpu.memref_slice %arg6[%dma_wait3A_10, %dma_wait3A_11] : memref<1280x64xf32, #tpu.memory_space<vmem>> -> memref<128x64xf32, #tpu.memory_space<vmem>>
    %dma_wait3A_13 = arith.constant 0 : i32
    %dma_wait3A_14 = tpu.memref_slice %arg4[%mul3A_2, %dma_wait3A_13] : memref<409600x64xf32, #tpu.memory_space<hbm>> -> memref<128x64xf32, #tpu.memory_space<hbm>>
    %dma_wait3A_15 = tpu.memref_slice %arg8[%dma_wait3A] : memref<10x!tpu.dma_semaphore, #tpu.memory_space<semaphore_mem>> -> memref<1x!tpu.dma_semaphore, #tpu.memory_space<semaphore_mem>>
    %dma_wait3A_16 = tpu.memref_squeeze %dma_wait3A_15 : memref<1x!tpu.dma_semaphore, #tpu.memory_space<semaphore_mem>> -> memref<!tpu.dma_semaphore, #tpu.memory_space<semaphore_mem>>
    %dma_wait3A_17 = arith.constant 0 : i32
    %dma_wait3A_18 = tpu.memref_slice %arg4[%mul3A_2, %dma_wait3A_17] : memref<409600x64xf32, #tpu.memory_space<hbm>> -> memref<128x64xf32, #tpu.memory_space<hbm>>
    %dma_wait3A_19 = arith.constant 0 : i32
    %dma_wait3A_20 = arith.constant 0 : i32
    %dma_wait3A_21 = tpu.memref_slice %arg6[%dma_wait3A_19, %dma_wait3A_20] : memref<1280x64xf32, #tpu.memory_space<vmem>> -> memref<128x64xf32, #tpu.memory_space<vmem>>
    tpu.wait_dma2 semaphore(%dma_wait3A_16 : memref<!tpu.dma_semaphore, #tpu.memory_space<semaphore_mem>>) src(%dma_wait3A_21 : memref<128x64xf32, #tpu.memory_space<vmem>>) dst(%dma_wait3A_18 : memref<128x64xf32, #tpu.memory_space<hbm>>)
    %dma_wait3A_22 = arith.constant 1 : i32
    %dma_wait3A_23 = arith.constant 128 : i32
    %dma_wait3A_24 = arith.constant 0 : i32
    %dma_wait3A_25 = tpu.memref_slice %arg6[%dma_wait3A_23, %dma_wait3A_24] : memref<1280x64xf32, #tpu.memory_space<vmem>> -> memref<128x64xf32, #tpu.memory_space<vmem>>
    %dma_wait3A_26 = arith.constant 0 : i32
    %dma_wait3A_27 = tpu.memref_slice %arg4[%mul3A_2, %dma_wait3A_26] : memref<409600x64xf32, #tpu.memory_space<hbm>> -> memref<128x64xf32, #tpu.memory_space<hbm>>
    %dma_wait3A_28 = tpu.memref_slice %arg8[%dma_wait3A_22] : memref<10x!tpu.dma_semaphore, #tpu.memory_space<semaphore_mem>> -> memref<1x!tpu.dma_semaphore, #tpu.memory_space<semaphore_mem>>
    %dma_wait3A_29 = tpu.memref_squeeze %dma_wait3A_28 : memref<1x!tpu.dma_semaphore, #tpu.memory_space<semaphore_mem>> -> memref<!tpu.dma_semaphore, #tpu.memory_space<semaphore_mem>>
    %dma_wait3A_30 = arith.constant 0 : i32
    %dma_wait3A_31 = tpu.memref_slice %arg4[%mul3A_2, %dma_wait3A_30] : memref<409600x64xf32, #tpu.memory_space<hbm>> -> memref<128x64xf32, #tpu.memory_space<hbm>>
    %dma_wait3A_32 = arith.constant 128 : i32
    %dma_wait3A_33 = arith.constant 0 : i32
    %dma_wait3A_34 = tpu.memref_slice %arg6[%dma_wait3A_32, %dma_wait3A_33] : memref<1280x64xf32, #tpu.memory_space<vmem>> -> memref<128x64xf32, #tpu.memory_space<vmem>>
    tpu.wait_dma2 semaphore(%dma_wait3A_29 : memref<!tpu.dma_semaphore, #tpu.memory_space<semaphore_mem>>) src(%dma_wait3A_34 : memref<128x64xf32, #tpu.memory_space<vmem>>) dst(%dma_wait3A_31 : memref<128x64xf32, #tpu.memory_space<hbm>>)
    %dma_wait3A_35 = arith.constant 2 : i32
    %dma_wait3A_36 = arith.constant 256 : i32
    %dma_wait3A_37 = arith.constant 0 : i32
    %dma_wait3A_38 = tpu.memref_slice %arg6[%dma_wait3A_36, %dma_wait3A_37] : memref<1280x64xf32, #tpu.memory_space<vmem>> -> memref<128x64xf32, #tpu.memory_space<vmem>>
    %dma_wait3A_39 = arith.constant 0 : i32
    %dma_wait3A_40 = tpu.memref_slice %arg4[%mul3A_2, %dma_wait3A_39] : memref<409600x64xf32, #tpu.memory_space<hbm>> -> memref<128x64xf32, #tpu.memory_space<hbm>>
    %dma_wait3A_41 = tpu.memref_slice %arg8[%dma_wait3A_35] : memref<10x!tpu.dma_semaphore, #tpu.memory_space<semaphore_mem>> -> memref<1x!tpu.dma_semaphore, #tpu.memory_space<semaphore_mem>>
    %dma_wait3A_42 = tpu.memref_squeeze %dma_wait3A_41 : memref<1x!tpu.dma_semaphore, #tpu.memory_space<semaphore_mem>> -> memref<!tpu.dma_semaphore, #tpu.memory_space<semaphore_mem>>
    %dma_wait3A_43 = arith.constant 0 : i32
    %dma_wait3A_44 = tpu.memref_slice %arg4[%mul3A_2, %dma_wait3A_43] : memref<409600x64xf32, #tpu.memory_space<hbm>> -> memref<128x64xf32, #tpu.memory_space<hbm>>
    %dma_wait3A_45 = arith.constant 256 : i32
    %dma_wait3A_46 = arith.constant 0 : i32
    %dma_wait3A_47 = tpu.memref_slice %arg6[%dma_wait3A_45, %dma_wait3A_46] : memref<1280x64xf32, #tpu.memory_space<vmem>> -> memref<128x64xf32, #tpu.memory_space<vmem>>
    tpu.wait_dma2 semaphore(%dma_wait3A_42 : memref<!tpu.dma_semaphore, #tpu.memory_space<semaphore_mem>>) src(%dma_wait3A_47 : memref<128x64xf32, #tpu.memory_space<vmem>>) dst(%dma_wait3A_44 : memref<128x64xf32, #tpu.memory_space<hbm>>)
    %dma_wait3A_48 = arith.constant 3 : i32
    %dma_wait3A_49 = arith.constant 384 : i32
    %dma_wait3A_50 = arith.constant 0 : i32
    %dma_wait3A_51 = tpu.memref_slice %arg6[%dma_wait3A_49, %dma_wait3A_50] : memref<1280x64xf32, #tpu.memory_space<vmem>> -> memref<128x64xf32, #tpu.memory_space<vmem>>
    %dma_wait3A_52 = arith.constant 0 : i32
    %dma_wait3A_53 = tpu.memref_slice %arg4[%mul3A_2, %dma_wait3A_52] : memref<409600x64xf32, #tpu.memory_space<hbm>> -> memref<128x64xf32, #tpu.memory_space<hbm>>
    %dma_wait3A_54 = tpu.memref_slice %arg8[%dma_wait3A_48] : memref<10x!tpu.dma_semaphore, #tpu.memory_space<semaphore_mem>> -> memref<1x!tpu.dma_semaphore, #tpu.memory_space<semaphore_mem>>
    %dma_wait3A_55 = tpu.memref_squeeze %dma_wait3A_54 : memref<1x!tpu.dma_semaphore, #tpu.memory_space<semaphore_mem>> -> memref<!tpu.dma_semaphore, #tpu.memory_space<semaphore_mem>>
    %dma_wait3A_56 = arith.constant 0 : i32
    %dma_wait3A_57 = tpu.memref_slice %arg4[%mul3A_2, %dma_wait3A_56] : memref<409600x64xf32, #tpu.memory_space<hbm>> -> memref<128x64xf32, #tpu.memory_space<hbm>>
    %dma_wait3A_58 = arith.constant 384 : i32
    %dma_wait3A_59 = arith.constant 0 : i32
    %dma_wait3A_60 = tpu.memref_slice %arg6[%dma_wait3A_58, %dma_wait3A_59] : memref<1280x64xf32, #tpu.memory_space<vmem>> -> memref<128x64xf32, #tpu.memory_space<vmem>>
    tpu.wait_dma2 semaphore(%dma_wait3A_55 : memref<!tpu.dma_semaphore, #tpu.memory_space<semaphore_mem>>) src(%dma_wait3A_60 : memref<128x64xf32, #tpu.memory_space<vmem>>) dst(%dma_wait3A_57 : memref<128x64xf32, #tpu.memory_space<hbm>>)
    %dma_wait3A_61 = arith.constant 4 : i32
    %dma_wait3A_62 = arith.constant 512 : i32
    %dma_wait3A_63 = arith.constant 0 : i32
    %dma_wait3A_64 = tpu.memref_slice %arg6[%dma_wait3A_62, %dma_wait3A_63] : memref<1280x64xf32, #tpu.memory_space<vmem>> -> memref<128x64xf32, #tpu.memory_space<vmem>>
    %dma_wait3A_65 = arith.constant 0 : i32
    %dma_wait3A_66 = tpu.memref_slice %arg4[%mul3A_2, %dma_wait3A_65] : memref<409600x64xf32, #tpu.memory_space<hbm>> -> memref<128x64xf32, #tpu.memory_space<hbm>>
    %dma_wait3A_67 = tpu.memref_slice %arg8[%dma_wait3A_61] : memref<10x!tpu.dma_semaphore, #tpu.memory_space<semaphore_mem>> -> memref<1x!tpu.dma_semaphore, #tpu.memory_space<semaphore_mem>>
    %dma_wait3A_68 = tpu.memref_squeeze %dma_wait3A_67 : memref<1x!tpu.dma_semaphore, #tpu.memory_space<semaphore_mem>> -> memref<!tpu.dma_semaphore, #tpu.memory_space<semaphore_mem>>
    %dma_wait3A_69 = arith.constant 0 : i32
    %dma_wait3A_70 = tpu.memref_slice %arg4[%mul3A_2, %dma_wait3A_69] : memref<409600x64xf32, #tpu.memory_space<hbm>> -> memref<128x64xf32, #tpu.memory_space<hbm>>
    %dma_wait3A_71 = arith.constant 512 : i32
    %dma_wait3A_72 = arith.constant 0 : i32
    %dma_wait3A_73 = tpu.memref_slice %arg6[%dma_wait3A_71, %dma_wait3A_72] : memref<1280x64xf32, #tpu.memory_space<vmem>> -> memref<128x64xf32, #tpu.memory_space<vmem>>
    tpu.wait_dma2 semaphore(%dma_wait3A_68 : memref<!tpu.dma_semaphore, #tpu.memory_space<semaphore_mem>>) src(%dma_wait3A_73 : memref<128x64xf32, #tpu.memory_space<vmem>>) dst(%dma_wait3A_70 : memref<128x64xf32, #tpu.memory_space<hbm>>)
    %dma_wait3A_74 = arith.constant 5 : i32
    %dma_wait3A_75 = arith.constant 640 : i32
    %dma_wait3A_76 = arith.constant 0 : i32
    %dma_wait3A_77 = tpu.memref_slice %arg6[%dma_wait3A_75, %dma_wait3A_76] : memref<1280x64xf32, #tpu.memory_space<vmem>> -> memref<128x64xf32, #tpu.memory_space<vmem>>
    %dma_wait3A_78 = arith.constant 0 : i32
    %dma_wait3A_79 = tpu.memref_slice %arg4[%mul3A_2, %dma_wait3A_78] : memref<409600x64xf32, #tpu.memory_space<hbm>> -> memref<128x64xf32, #tpu.memory_space<hbm>>
    %dma_wait3A_80 = tpu.memref_slice %arg8[%dma_wait3A_74] : memref<10x!tpu.dma_semaphore, #tpu.memory_space<semaphore_mem>> -> memref<1x!tpu.dma_semaphore, #tpu.memory_space<semaphore_mem>>
    %dma_wait3A_81 = tpu.memref_squeeze %dma_wait3A_80 : memref<1x!tpu.dma_semaphore, #tpu.memory_space<semaphore_mem>> -> memref<!tpu.dma_semaphore, #tpu.memory_space<semaphore_mem>>
    %dma_wait3A_82 = arith.constant 0 : i32
    %dma_wait3A_83 = tpu.memref_slice %arg4[%mul3A_2, %dma_wait3A_82] : memref<409600x64xf32, #tpu.memory_space<hbm>> -> memref<128x64xf32, #tpu.memory_space<hbm>>
    %dma_wait3A_84 = arith.constant 640 : i32
    %dma_wait3A_85 = arith.constant 0 : i32
    %dma_wait3A_86 = tpu.memref_slice %arg6[%dma_wait3A_84, %dma_wait3A_85] : memref<1280x64xf32, #tpu.memory_space<vmem>> -> memref<128x64xf32, #tpu.memory_space<vmem>>
    tpu.wait_dma2 semaphore(%dma_wait3A_81 : memref<!tpu.dma_semaphore, #tpu.memory_space<semaphore_mem>>) src(%dma_wait3A_86 : memref<128x64xf32, #tpu.memory_space<vmem>>) dst(%dma_wait3A_83 : memref<128x64xf32, #tpu.memory_space<hbm>>)
    %dma_wait3A_87 = arith.constant 6 : i32
    %dma_wait3A_88 = arith.constant 768 : i32
    %dma_wait3A_89 = arith.constant 0 : i32
    %dma_wait3A_90 = tpu.memref_slice %arg6[%dma_wait3A_88, %dma_wait3A_89] : memref<1280x64xf32, #tpu.memory_space<vmem>> -> memref<128x64xf32, #tpu.memory_space<vmem>>
    %dma_wait3A_91 = arith.constant 0 : i32
    %dma_wait3A_92 = tpu.memref_slice %arg4[%mul3A_2, %dma_wait3A_91] : memref<409600x64xf32, #tpu.memory_space<hbm>> -> memref<128x64xf32, #tpu.memory_space<hbm>>
    %dma_wait3A_93 = tpu.memref_slice %arg8[%dma_wait3A_87] : memref<10x!tpu.dma_semaphore, #tpu.memory_space<semaphore_mem>> -> memref<1x!tpu.dma_semaphore, #tpu.memory_space<semaphore_mem>>
    %dma_wait3A_94 = tpu.memref_squeeze %dma_wait3A_93 : memref<1x!tpu.dma_semaphore, #tpu.memory_space<semaphore_mem>> -> memref<!tpu.dma_semaphore, #tpu.memory_space<semaphore_mem>>
    %dma_wait3A_95 = arith.constant 0 : i32
    %dma_wait3A_96 = tpu.memref_slice %arg4[%mul3A_2, %dma_wait3A_95] : memref<409600x64xf32, #tpu.memory_space<hbm>> -> memref<128x64xf32, #tpu.memory_space<hbm>>
    %dma_wait3A_97 = arith.constant 768 : i32
    %dma_wait3A_98 = arith.constant 0 : i32
    %dma_wait3A_99 = tpu.memref_slice %arg6[%dma_wait3A_97, %dma_wait3A_98] : memref<1280x64xf32, #tpu.memory_space<vmem>> -> memref<128x64xf32, #tpu.memory_space<vmem>>
    tpu.wait_dma2 semaphore(%dma_wait3A_94 : memref<!tpu.dma_semaphore, #tpu.memory_space<semaphore_mem>>) src(%dma_wait3A_99 : memref<128x64xf32, #tpu.memory_space<vmem>>) dst(%dma_wait3A_96 : memref<128x64xf32, #tpu.memory_space<hbm>>)
    %dma_wait3A_100 = arith.constant 7 : i32
    %dma_wait3A_101 = arith.constant 896 : i32
    %dma_wait3A_102 = arith.constant 0 : i32
    %dma_wait3A_103 = tpu.memref_slice %arg6[%dma_wait3A_101, %dma_wait3A_102] : memref<1280x64xf32, #tpu.memory_space<vmem>> -> memref<128x64xf32, #tpu.memory_space<vmem>>
    %dma_wait3A_104 = arith.constant 0 : i32
    %dma_wait3A_105 = tpu.memref_slice %arg4[%mul3A_2, %dma_wait3A_104] : memref<409600x64xf32, #tpu.memory_space<hbm>> -> memref<128x64xf32, #tpu.memory_space<hbm>>
    %dma_wait3A_106 = tpu.memref_slice %arg8[%dma_wait3A_100] : memref<10x!tpu.dma_semaphore, #tpu.memory_space<semaphore_mem>> -> memref<1x!tpu.dma_semaphore, #tpu.memory_space<semaphore_mem>>
    %dma_wait3A_107 = tpu.memref_squeeze %dma_wait3A_106 : memref<1x!tpu.dma_semaphore, #tpu.memory_space<semaphore_mem>> -> memref<!tpu.dma_semaphore, #tpu.memory_space<semaphore_mem>>
    %dma_wait3A_108 = arith.constant 0 : i32
    %dma_wait3A_109 = tpu.memref_slice %arg4[%mul3A_2, %dma_wait3A_108] : memref<409600x64xf32, #tpu.memory_space<hbm>> -> memref<128x64xf32, #tpu.memory_space<hbm>>
    %dma_wait3A_110 = arith.constant 896 : i32
    %dma_wait3A_111 = arith.constant 0 : i32
    %dma_wait3A_112 = tpu.memref_slice %arg6[%dma_wait3A_110, %dma_wait3A_111] : memref<1280x64xf32, #tpu.memory_space<vmem>> -> memref<128x64xf32, #tpu.memory_space<vmem>>
    tpu.wait_dma2 semaphore(%dma_wait3A_107 : memref<!tpu.dma_semaphore, #tpu.memory_space<semaphore_mem>>) src(%dma_wait3A_112 : memref<128x64xf32, #tpu.memory_space<vmem>>) dst(%dma_wait3A_109 : memref<128x64xf32, #tpu.memory_space<hbm>>)
    %dma_wait3A_113 = arith.constant 8 : i32
    %dma_wait3A_114 = arith.constant 1024 : i32
    %dma_wait3A_115 = arith.constant 0 : i32
    %dma_wait3A_116 = tpu.memref_slice %arg6[%dma_wait3A_114, %dma_wait3A_115] : memref<1280x64xf32, #tpu.memory_space<vmem>> -> memref<128x64xf32, #tpu.memory_space<vmem>>
    %dma_wait3A_117 = arith.constant 0 : i32
    %dma_wait3A_118 = tpu.memref_slice %arg4[%mul3A_2, %dma_wait3A_117] : memref<409600x64xf32, #tpu.memory_space<hbm>> -> memref<128x64xf32, #tpu.memory_space<hbm>>
    %dma_wait3A_119 = tpu.memref_slice %arg8[%dma_wait3A_113] : memref<10x!tpu.dma_semaphore, #tpu.memory_space<semaphore_mem>> -> memref<1x!tpu.dma_semaphore, #tpu.memory_space<semaphore_mem>>
    %dma_wait3A_120 = tpu.memref_squeeze %dma_wait3A_119 : memref<1x!tpu.dma_semaphore, #tpu.memory_space<semaphore_mem>> -> memref<!tpu.dma_semaphore, #tpu.memory_space<semaphore_mem>>
    %dma_wait3A_121 = arith.constant 0 : i32
    %dma_wait3A_122 = tpu.memref_slice %arg4[%mul3A_2, %dma_wait3A_121] : memref<409600x64xf32, #tpu.memory_space<hbm>> -> memref<128x64xf32, #tpu.memory_space<hbm>>
    %dma_wait3A_123 = arith.constant 1024 : i32
    %dma_wait3A_124 = arith.constant 0 : i32
    %dma_wait3A_125 = tpu.memref_slice %arg6[%dma_wait3A_123, %dma_wait3A_124] : memref<1280x64xf32, #tpu.memory_space<vmem>> -> memref<128x64xf32, #tpu.memory_space<vmem>>
    tpu.wait_dma2 semaphore(%dma_wait3A_120 : memref<!tpu.dma_semaphore, #tpu.memory_space<semaphore_mem>>) src(%dma_wait3A_125 : memref<128x64xf32, #tpu.memory_space<vmem>>) dst(%dma_wait3A_122 : memref<128x64xf32, #tpu.memory_space<hbm>>)
    %dma_wait3A_126 = arith.constant 9 : i32
    %dma_wait3A_127 = arith.constant 1152 : i32
    %dma_wait3A_128 = arith.constant 0 : i32
    %dma_wait3A_129 = tpu.memref_slice %arg6[%dma_wait3A_127, %dma_wait3A_128] : memref<1280x64xf32, #tpu.memory_space<vmem>> -> memref<128x64xf32, #tpu.memory_space<vmem>>
    %dma_wait3A_130 = arith.constant 0 : i32
    %dma_wait3A_131 = tpu.memref_slice %arg4[%mul3A_2, %dma_wait3A_130] : memref<409600x64xf32, #tpu.memory_space<hbm>> -> memref<128x64xf32, #tpu.memory_space<hbm>>
    %dma_wait3A_132 = tpu.memref_slice %arg8[%dma_wait3A_126] : memref<10x!tpu.dma_semaphore, #tpu.memory_space<semaphore_mem>> -> memref<1x!tpu.dma_semaphore, #tpu.memory_space<semaphore_mem>>
    %dma_wait3A_133 = tpu.memref_squeeze %dma_wait3A_132 : memref<1x!tpu.dma_semaphore, #tpu.memory_space<semaphore_mem>> -> memref<!tpu.dma_semaphore, #tpu.memory_space<semaphore_mem>>
    %dma_wait3A_134 = arith.constant 0 : i32
    %dma_wait3A_135 = tpu.memref_slice %arg4[%mul3A_2, %dma_wait3A_134] : memref<409600x64xf32, #tpu.memory_space<hbm>> -> memref<128x64xf32, #tpu.memory_space<hbm>>
    %dma_wait3A_136 = arith.constant 1152 : i32
    %dma_wait3A_137 = arith.constant 0 : i32
    %dma_wait3A_138 = tpu.memref_slice %arg6[%dma_wait3A_136, %dma_wait3A_137] : memref<1280x64xf32, #tpu.memory_space<vmem>> -> memref<128x64xf32, #tpu.memory_space<vmem>>
    tpu.wait_dma2 semaphore(%dma_wait3A_133 : memref<!tpu.dma_semaphore, #tpu.memory_space<semaphore_mem>>) src(%dma_wait3A_138 : memref<128x64xf32, #tpu.memory_space<vmem>>) dst(%dma_wait3A_135 : memref<128x64xf32, #tpu.memory_space<hbm>>)
    return
  }
}

module attributes {stable_mosaic.version = 14 : i64} {
  func.func @_normalize_body(%arg0: i32, %arg1: memref<64x8192xf32, #tpu.memory_space<vmem>>, %arg2: memref<64x8192xf32, #tpu.memory_space<vmem>>, %arg3: memref<4096x128xf32, #tpu.memory_space<vmem>>) attributes {dimension_semantics = [#tpu.dimension_semantics<arbitrary>], iteration_bounds = array<i64: 14>, scalar_prefetch = 0 : i64, scratch_operands = 0 : i64, tpu.core_type = #tpu.core_type<tc>, window_params = [{transform_indices = @transform_0, window_bounds = array<i64: 64, 8192>}, {transform_indices = @transform_1, window_bounds = array<i64: 64, 8192>}, {transform_indices = @transform_2, window_bounds = array<i64: 4096, 128>}]} {
    %lt3A = arith.constant 13 : i32
    %lt3A_0 = arith.cmpi slt, %arg0, %lt3A : i32
    %convert_element_type3A = arith.extui %lt3A_0 : i1 to i32
    %cond3A = arith.constant 0 : i32
    %cond3A_1 = arith.cmpi ne, %convert_element_type3A, %cond3A : i32
    scf.if %cond3A_1 {
      %get3A = arith.constant 0 : index
      %get3A_6 = arith.constant 0 : index
      %get3A_7 = vector.load %arg1[%get3A, %get3A_6] : memref<64x8192xf32, #tpu.memory_space<vmem>>, vector<64x8192xf32>
      %mul3A = arith.mulf %get3A_7, %get3A_7 : vector<64x8192xf32>
      %reduce_sum3A = arith.constant dense<0.000000e+00> : vector<8192xf32>
      %reduce_sum3A_8 = vector.multi_reduction <add>, %mul3A, %reduce_sum3A [0] : vector<64x8192xf32> to vector<8192xf32>
      %broadcast_in_dim3A = vector.shape_cast %reduce_sum3A_8 : vector<8192xf32> to vector<1x8192xf32>
      %sqrt3A = math.sqrt %broadcast_in_dim3A : vector<1x8192xf32>
      %add3A = arith.constant 9.99999993E-9 : f32
      %add3A_9 = vector.broadcast %add3A : f32 to vector<1x8192xf32>
      %add3A_10 = arith.addf %sqrt3A, %add3A_9 : vector<1x8192xf32>
      %div3A = arith.constant 1.000000e+00 : f32
      %div3A_11 = vector.broadcast %div3A : f32 to vector<1x8192xf32>
      %div3A_12 = arith.divf %div3A_11, %add3A_10 : vector<1x8192xf32>
      %mul3A_13 = vector.broadcast %div3A_12 : vector<1x8192xf32> to vector<64x8192xf32>
      %mul3A_14 = arith.mulf %get3A_7, %mul3A_13 : vector<64x8192xf32>
      %slice3A = vector.extract_strided_slice %mul3A_14 {offsets = [0, 0], sizes = [64, 4096], strides = [1, 1]} : vector<64x8192xf32> to vector<64x4096xf32>
      %transpose3A = tpu.transpose %slice3A, [1, 0] : vector<64x4096xf32> -> vector<4096x64xf32>
      %slice3A_15 = vector.extract_strided_slice %mul3A_14 {offsets = [0, 4096], sizes = [64, 4096], strides = [1, 1]} : vector<64x8192xf32> to vector<64x4096xf32>
      %transpose3A_16 = tpu.transpose %slice3A_15, [1, 0] : vector<64x4096xf32> -> vector<4096x64xf32>
      %concatenate3A = tpu.concatenate %transpose3A, %transpose3A_16 in 1 : vector<4096x64xf32>, vector<4096x64xf32> -> vector<4096x128xf32>
      %swap3A = arith.constant 0 : index
      %swap3A_17 = arith.constant 0 : index
      %swap3A_18 = vector.load %arg3[%swap3A, %swap3A_17] : memref<4096x128xf32, #tpu.memory_space<vmem>>, vector<4096x128xf32>
      tpu.vector_store %arg3[%swap3A, %swap3A_17], %concatenate3A {strides = array<i32>} : memref<4096x128xf32, #tpu.memory_space<vmem>>, vector<4096x128xf32>,
    } else {
    }
    %ge3A = arith.constant 13 : i32
    %ge3A_2 = arith.cmpi sge, %arg0, %ge3A : i32
    %convert_element_type3A_3 = arith.extui %ge3A_2 : i1 to i32
    %cond3A_4 = arith.constant 0 : i32
    %cond3A_5 = arith.cmpi ne, %convert_element_type3A_3, %cond3A_4 : i32
    scf.if %cond3A_5 {
      %get3A = arith.constant 0 : index
      %get3A_6 = arith.constant 0 : index
      %get3A_7 = vector.load %arg2[%get3A, %get3A_6] : memref<64x8192xf32, #tpu.memory_space<vmem>>, vector<64x8192xf32>
      %mul3A = arith.mulf %get3A_7, %get3A_7 : vector<64x8192xf32>
      %reduce_sum3A = arith.constant dense<0.000000e+00> : vector<8192xf32>
      %reduce_sum3A_8 = vector.multi_reduction <add>, %mul3A, %reduce_sum3A [0] : vector<64x8192xf32> to vector<8192xf32>
      %broadcast_in_dim3A = vector.shape_cast %reduce_sum3A_8 : vector<8192xf32> to vector<1x8192xf32>
      %sqrt3A = math.sqrt %broadcast_in_dim3A : vector<1x8192xf32>
      %add3A = arith.constant 9.99999993E-9 : f32
      %add3A_9 = vector.broadcast %add3A : f32 to vector<1x8192xf32>
      %add3A_10 = arith.addf %sqrt3A, %add3A_9 : vector<1x8192xf32>
      %div3A = arith.constant 1.000000e+00 : f32
      %div3A_11 = vector.broadcast %div3A : f32 to vector<1x8192xf32>
      %div3A_12 = arith.divf %div3A_11, %add3A_10 : vector<1x8192xf32>
      %mul3A_13 = vector.broadcast %div3A_12 : vector<1x8192xf32> to vector<64x8192xf32>
      %mul3A_14 = arith.mulf %get3A_7, %mul3A_13 : vector<64x8192xf32>
      %slice3A = vector.extract_strided_slice %mul3A_14 {offsets = [0, 0], sizes = [64, 4096], strides = [1, 1]} : vector<64x8192xf32> to vector<64x4096xf32>
      %transpose3A = tpu.transpose %slice3A, [1, 0] : vector<64x4096xf32> -> vector<4096x64xf32>
      %slice3A_15 = vector.extract_strided_slice %mul3A_14 {offsets = [0, 4096], sizes = [64, 4096], strides = [1, 1]} : vector<64x8192xf32> to vector<64x4096xf32>
      %transpose3A_16 = tpu.transpose %slice3A_15, [1, 0] : vector<64x4096xf32> -> vector<4096x64xf32>
      %concatenate3A = tpu.concatenate %transpose3A, %transpose3A_16 in 1 : vector<4096x64xf32>, vector<4096x64xf32> -> vector<4096x128xf32>
      %swap3A = arith.constant 0 : index
      %swap3A_17 = arith.constant 0 : index
      %swap3A_18 = vector.load %arg3[%swap3A, %swap3A_17] : memref<4096x128xf32, #tpu.memory_space<vmem>>, vector<4096x128xf32>
      tpu.vector_store %arg3[%swap3A, %swap3A_17], %concatenate3A {strides = array<i32>} : memref<4096x128xf32, #tpu.memory_space<vmem>>, vector<4096x128xf32>,
    } else {
    }
    return
  }
  func.func @transform_0(%arg0: i32) -> (i32, i32) {
    %min3A = arith.constant 12 : i32
    %min3A_0 = arith.minsi %arg0, %min3A : i32
    %c0_i32 = arith.constant 0 : i32
    %c0_i32_1 = arith.constant 0 : i32
    return %c0_i32, %min3A_0 : i32, i32
  }
  func.func @transform_1(%arg0: i32) -> (i32, i32) {
    %sub3A = arith.constant 13 : i32
    %sub3A_0 = arith.subi %arg0, %sub3A : i32
    %jit3A = arith.constant 0 : i32
    %jit3A_1 = arith.constant 0 : i32
    %max3A = arith.maxsi %jit3A, %sub3A_0 : i32
    %min3A = arith.minsi %jit3A_1, %max3A : i32
    %c0_i32 = arith.constant 0 : i32
    %c0_i32_2 = arith.constant 0 : i32
    return %c0_i32, %min3A : i32, i32
  }
  func.func @transform_2(%arg0: i32) -> (i32, i32) {
    %c0_i32 = arith.constant 0 : i32
    %c0_i32_0 = arith.constant 0 : i32
    return %arg0, %c0_i32 : i32, i32
  }
}

</mosaic_0001>

<sc_bundles>
// kernel: kernel.4.cloned.1.call-start
scs
__scs_entry_jumppad:
0x0: {  	(pc) =	sbr.rel $0x88, $3  }
0x1: {  	(tag) =	ssettag $0x0;
	lr =	simm.s32 $0x1  }
0x2: {  	[smem:$0x3F9D] =	sst lr;
	_ =	strace $0xD0000000  }
0x3: {  	_ = 	snop  }
0x4: {  	_ = 	snop  }
0x5: {  	_ = 	snop  }
0x6: {  	_ = 	snop  }
0x7: {  	_ = 	snop  }
__scs_overlays_trampoline_lowered:
0x8: {  	[smem:$0x3FAC] =	sst s0  }
0x9: {  	[smem:$0x3FAD] =	sst s1  }
0xa: {  	[smem:$0x3FAE] =	sst s2  }
0xb: {  	[smem:$0x3FAF] =	sst s3  }
0xc: {  	[smem:$0x3FB0] =	sst s4  }
0xd: {  	[smem:$0x3FB1] =	sst s5  }
0xe: {  	[smem:$0x3FB2] =	sst s6  }
0xf: {  	[smem:$0x3FB3] =	sst s7  }
0x10: {  	[smem:$0x3FB4] =	sst s8  }
0x11: {  	[smem:$0x3FB5] =	sst s9;
	s0 =	simm.s32 @!p0 $0x0  }
0x12: {  	s1 =	sld [smem:$0x3F9B];
	s0 =	simm.s32 @p0 $0x1  }
0x13: {  	[smem:$0x3FB6] =	sst s0;
	s0 =	simm.s32 @!p1 $0x0  }
0x14: {  	s2 =	sld [smem:$0x3F9A];
	s0 =	simm.s32 @p1 $0x1  }
0x15: {  	[smem:$0x3FB7] =	sst s0;
	s0 =	simm.s32 @!p2 $0x0  }
0x16: {  	s3 =	sld [smem:$0x3FDB];
	s0 =	simm.s32 @p2 $0x1  }
0x17: {  	s4 =	simm.s32 $0x1BF5;
	[smem:$0x3FB9] =	sst s0  }
0x18: {  	s0 =	sld [smem:$0x3F9C];
	_ =	swait.ge [sflag:s4], $0x0  }
0x19: {  	s7 =	sld [smem:$0x3F9D]  }
0x1a: {  	s8 =	sadd.s32 $0xFFFFE003, lr  }
0x1b: {  	s9 =	sadd.s32 $0xFFFFFEF7, lr;
	s5 =	simm.s32 $0xFFFFFFFF;
	p2 =	slt.u32 s8, $0xFFFFF086  }
0x1c: {  	p1 =	slt.u32 s9, $0xF7A;
	s5 =	simm.s32 @!p2 $0x0  }
0x1d: {  	s5 =	simm.s32 @p1 $0x1;
	p0 =	seq.s32 s7, s2  }
0x1e: {  	s7 =	smul.u32 @!p0 $0xF7A, s2;
	p2 =	seq.s32 @!p0 s5, $0x0  }
0x1f: {  	s9 =	smul.u32 $0xF7A, s1;
	s8 =	simm.s32 @!p0 $0x1BF5;
	p2 =	por !p2, p0  }
0x20: {  	[sflag:s8] =	ssyncset.s32 @!p0 $0xFFFFF086;
	s6 =	sadd.s32 @!p0 s3, s7;
	s7 =	simm.s32 @!p0 $0x108  }
0x21: {  	s3 =	sadd.s32 s3, s9;
	s6 =	sadd.s32 @!p0 $0x88, s6;
	s7 =	simm.s32 @p2 $0x1082  }
0x22: {  	[simem:s7], [sflag:s8] =	dma.local @!p0 [hbm:s6], $0xF7A  }
0x23: {  	s9 =	sor.u32 $0xD0000000, s2;
	s6 =	simm.s32 $0x108;
	_ =	swait.ge @!p0 [sflag:s8], $0x0  }
0x24: {  	s3 =	sadd.s32 $0x88, s3;
	s6 =	simm.s32 @!p1 $0x1082;
	[sflag:s4] =	ssyncset.s32 $0xFFFFF086  }
0x25: {  	[simem:s6], [sflag:s4] =	dma.local [hbm:s3], $0xF7A  }
0x26: {  	[smem:$0x3F9D] =	sst s1;
	(tag) =	ssettag s2;
	_ =	strace s9  }
0x27: {  	s1 =	sld [smem:$0x3FAD]  }
0x28: {  	s2 =	sld [smem:$0x3FAE]  }
0x29: {  	s4 =	sld [smem:$0x3FB0]  }
0x2a: {  	p0 =	seq.s32 s5, $0x0;
	s5 =	sld [smem:$0x3FB1]  }
0x2b: {  	s6 =	sld [smem:$0x3FB2]  }
0x2c: {  	s7 =	sld [smem:$0x3FB3]  }
0x2d: {  	s3 =	simm.s32 $0x108;
	s8 =	sld [smem:$0x3FB4]  }
0x2e: {  	s3 =	simm.s32 @!p0 $0x1082;
	s9 =	sld [smem:$0x3FB5]  }
0x2f: {  	lr =	sadd.s32 s0, s3;
	s0 =	sld [smem:$0x3FAC]  }
0x30: {  	s3 =	sld [smem:$0x3FAF]  }
0x31: {  	[smem:$0x3FB8] =	sst s10  }
0x32: {  	s10 =	sld [smem:$0x3FB6];
	_ =	sdelay $0x3  }
0x33: {  	p0 =	seq.s32 s10, $0x1;
	s10 =	sld [smem:$0x3FB8];
	_ =	sdelay $0x3  }
0x34: {  	[smem:$0x3FB8] =	sst s10  }
0x35: {  	s10 =	sld [smem:$0x3FB7];
	_ =	sdelay $0x3  }
0x36: {  	p1 =	seq.s32 s10, $0x1;
	s10 =	sld [smem:$0x3FB8];
	_ =	sdelay $0x3  }
0x37: {  	[smem:$0x3FB8] =	sst s10  }
0x38: {  	s10 =	sld [smem:$0x3FB9]  }
0x39: {  	_ = 	snop;
	(pc) =	sbr.ind lr, $3  }
0x3a: {  	_ = 	snop  }
0x3b: {  	_ = 	snop  }
0x3c: {  	p2 =	seq.s32 s10, $0x1;
	s10 =	sld [smem:$0x3FB8]  }
0x3d: {  	_ =	shalt  }
0x3e: {  	_ =	shalt  }
0x3f: {  	_ =	shalt  }
0x40: {  	_ =	shalt  }
0x41: {  	_ =	shalt  }
0x42: {  	_ =	shalt  }
0x43: {  	_ =	shalt  }
0x44: {  	_ =	shalt  }
0x45: {  	_ =	shalt  }
0x46: {  	_ =	shalt  }
0x47: {  	_ =	shalt  }
0x48: {  	_ =	shalt  }
0x49: {  	_ =	shalt  }
0x4a: {  	_ =	shalt  }
0x4b: {  	_ =	shalt  }
0x4c: {  	_ =	shalt  }
0x4d: {  	_ =	shalt  }
0x4e: {  	_ =	shalt  }
0x4f: {  	_ =	shalt  }
0x50: {  	_ =	shalt  }
0x51: {  	_ =	shalt  }
0x52: {  	_ =	shalt  }
0x53: {  	_ =	shalt  }
0x54: {  	_ =	shalt  }
0x55: {  	_ =	shalt  }
0x56: {  	_ =	shalt  }
0x57: {  	_ =	shalt  }
0x58: {  	_ =	shalt  }
0x59: {  	_ =	shalt  }
0x5a: {  	_ =	shalt  }
0x5b: {  	_ =	shalt  }
0x5c: {  	_ =	shalt  }
0x5d: {  	_ =	shalt  }
0x5e: {  	_ =	shalt  }
0x5f: {  	_ =	shalt  }
0x60: {  	_ =	shalt  }
0x61: {  	_ =	shalt  }
0x62: {  	_ =	shalt  }
0x63: {  	_ =	shalt  }
0x64: {  	_ =	shalt  }
0x65: {  	_ =	shalt  }
0x66: {  	_ =	shalt  }
0x67: {  	_ =	shalt  }
0x68: {  	_ =	shalt  }
0x69: {  	_ =	shalt  }
0x6a: {  	_ =	shalt  }
0x6b: {  	_ =	shalt  }
0x6c: {  	_ =	shalt  }
0x6d: {  	_ =	shalt  }
0x6e: {  	_ =	shalt  }
0x6f: {  	_ =	shalt  }
0x70: {  	_ =	shalt  }
0x71: {  	_ =	shalt  }
0x72: {  	_ =	shalt  }
0x73: {  	_ =	shalt  }
0x74: {  	_ =	shalt  }
0x75: {  	_ =	shalt  }
0x76: {  	_ =	shalt  }
0x77: {  	_ =	shalt  }
0x78: {  	_ =	shalt  }
0x79: {  	_ =	shalt  }
0x7a: {  	_ =	shalt  }
0x7b: {  	_ =	shalt  }
0x7c: {  	_ =	shalt  }
0x7d: {  	_ =	shalt  }
0x7e: {  	_ =	shalt  }
0x7f: {  	_ =	shalt  }
0x80: {  	_ =	shalt  }
0x81: {  	_ =	shalt  }
0x82: {  	_ =	shalt  }
0x83: {  	_ =	shalt  }
0x84: {  	_ =	shalt  }
0x85: {  	_ =	shalt  }
0x86: {  	_ =	shalt  }
0x87: {  	_ =	shalt  }
.Lfunc_end0:
.L_simem_size_0:
called_computation_lowered:
.L_overlay_start_0:
0x88: {  	s2 =	sld [smem:$0x3FD9]  }
0x89: {  	s3 =	sld [smem:$0x3FFE];
	_ =	sdelay $0x1  }
0x8a: {  	s1 =	srdreg.scid  }
0x8b: {  	s0 =	sand.u32 $0x1, s1  }
0x8c: {  	s17 =	sshll.u32 s0, $0xA;
	s2 =	sadd.s32 s3, s2  }
0x8d: {  	s2 =	sadd.s32 s2, s17  }
0x8e: {  	[smem:$0x3FC4] =	sst s2  }
0x8f: {  	_ = 	snop  }
0x90: {  	s2 =	sld [smem:$0x3FD0];
	(tm) =	ssettm $0x1  }
0x91: {  	s18 =	sld [smem:$0x3FFB];
	_ =	sdelay $0x3  }
0x92: {  	_ =	strace s18  }
0x93: {  	s3 =	sld [smem:$0x3FFC];
	_ =	sdelay $0x3  }
0x94: {  	_ =	strace s3  }
0x95: {  	s3 =	sld [smem:$0x3FFD];
	_ =	sdelay $0x3  }
0x96: {  	_ =	strace s3  }
0x97: {  	_ =	strace $0x8FFFFFFF  }
0x98: {  	s19 =	sld [smem:$0x3FDB];
	_ =	sdelay $0x1  }
0x99: {  	s4 =	simm.s32 $_scs_section_size  }
0x9a: {  	s5 =	simm.s32 $_size__tile_overlayer_lowered;
	s6 =	simm.s32 $_tile_overlayer_lowered  }
0x9b: {  	s22 =	simm.s32 $0x1BFF;
	s21 =	sshll.u32 s6, $0x1;
	s3 =	sadd.s32 s4, s19  }
0x9c: {  	s7 =	simm.s32 $0x0;
	s20 =	sshll.u32 s5, $0x1;
	s5 =	sadd.s32 s21, s3  }
0x9d: {  	[timem:s7], [sflag:s22] =	dma.local [hbm:s5], s20  }
0x9e: {  	_ =	swait.ge [sflag:s22], s20  }
0x9f: {  	s4 =	ssub.s32 $0x0, s20;
	[sflag:s22] =	ssyncset.done $0x0  }
0xa0: {  	[sflag:s22] =	ssyncadd.s32 s4;
	_ =	sdelay $0x1  }
0xa1: {  	s23 =	simm.s32 $0x1B8B  }
0xa2: {  	_ =	swait.ge [sflag:s23], $0x1  }
0xa3: {  	[sflag:s23] =	ssyncset.done $0x0  }
0xa4: {  	s25 =	simm.s32 $0x1B8E;
	s24 =	sld [smem:$0x3FFE];
	[sflag:s23] =	ssyncadd.s32 $0xFFFFFFFF  }
0xa5: {  	s26 =	simm.s32 $execute0_lowered;
	[smem:$0x3FD2] =	sst s25  }
0xa6: {  	s5 =	sshll.u32 s26, $0x1;
	_ =	strace $0x80000046;
	[dreg:$0x1] =	wrdreg $0xFFFFFFFF  }
0xa7: {  	s28 =	simm.s32 $_size_execute0_lowered;
	s3 =	sadd.s32 s3, s5;
	[dreg:$0x0] =	wrdreg $0x0  }
0xa8: {  	s5 =	sshll.u32 s28, $0x1;
	[dreg:$0x2] =	wrdreg s3  }
0xa9: {  	[dreg:$0x3] =	wrdreg s5  }
0xaa: {  	[dreg:$0x4] =	wrdreg $0xC0  }
0xab: {  	_ =	task [dreg:s7], $0x5FFFF  }
0xac: {  	[dreg:$0x1] =	wrdreg $0xFFFFFFFF  }
0xad: {  	[dreg:$0x0] =	wrdreg $0x60  }
0xae: {  	[dreg:$0x2] =	wrdreg s24  }
0xaf: {  	[dreg:$0x3] =	wrdreg s2  }
0xb0: {  	[dreg:$0x4] =	wrdreg $0x9  }
0xb1: {  	_ =	task.clear_ibuf [dreg:s7], $0x5FFFF;
	_ =	strace $0x90000046  }
0xb2: {  	s29 =	simm.s32 $0x9;
	_ =	strace $0x80000048  }
0xb3: {  	_ =	swait.ge [sflag:s29], $0x1  }
0xb4: {  	[sflag:s29] =	ssyncadd.s32 $0xFFFFFFFF  }
0xb5: {  	_ =	strace $0x90000048  }
0xb6: {  	_ =	sfence  }
0xb7: {  	s30 =	sld [smem:$0x0];
	_ =	sdelay $0x2  }
0xb8: {  	s31 =	sshll.u32 s1, $0xD;
	s1 =	sshrl.u32 s1, $0x2  }
0xb9: {  	s3 =	sand.u32 $0x4000, s31;
	s1 =	sadd.s32 s1, s30  }
0xba: {  	s0 =	sor.u32 s3, s0;
	s1 =	sshll.u32 s1, $0x11  }
0xbb: {  	s0 =	sor.u32 s1, s0  }
0xbc: {  	s0 =	sadd.s32 $0x8F2B, s0  }
0xbd: {  	[sflag:s0] =	ssyncadd.remote.s32 $0x1  }
0xbe: {  	_ =	sfence.sel $0xFFFF  }
0xbf: {  	[dreg:$0x0] =	wrdreg $0xFFFFFFFF;
	(pc) =	sbr.abs _section_cstart, $3  }
0xc0: {  	[dreg:$0x1] =	wrdreg $0xFFFFFFFF  }
0xc1: {  	_ =	task.clear_ibuf [dreg:s7], $0x2FFFF;
	_ =	strace $0x9FFFFFFF  }
0xc2: {  	(tm) =	ssettm $0x7FFFFFFF  }
0xc3: {  	_ =	shalt  }
tec
execute0_lowered:
.L_overlay_start_1:
0x0: {  	(tag) =	ssettag $0x1  }
0x1: {  	s0 =	rddreg [dreg:$0x0];
	s1 =	srdreg.scid  }
0x2: {  	s3 =	stileid.u32;
	s2 =	rddreg [dreg:$0x1];
	s9 =	simm.s32 $0x7200  }
0x3: {  	s10 =	simm.s32 $0x9200;
	s11 =	simm.s32 $0xB200;
	s12 =	simm.s32 $0xD200  }
0x4: {  	s13 =	simm.s32 $0xF200;
	s14 =	simm.s32 $0x11200;
	s17 =	simm.s32 $0x13200  }
0x5: {  	s18 =	simm.s32 $0x80;
	s28 =	simm.s32 $0x8;
	s29 =	simm.s32 $0x9  }
0x6: {  	s30 =	simm.s32 $0xA;
	s1 =	sand.u32 $0x1, s1;
	s4 =	sshll.u32 s3, $0x1  }
0x7: {  	s8 =	simm.s32 $0x0;
	s25 =	simm.s32 $0x15200;
	s5 =	sor.u32 s1, s4  }
0x8: {  	s26 =	simm.s32 $0x1;
	s1 =	ssub.s32 $0x2, s1;
	s6 =	smul.u32 $0x640, s5  }
.Ltmp0:
0x9: {  	s3 =	simm.s32 $0x0;
	s7 =	sshrl.u32 s1, $0x1;
	(pc) =	sbr.rel .LBB2_1-.Ltmp0, $4  }
0xa: {  	[smem:$0x7FF] =	sst s3;
	s4 =	sadd.s32 $0xA00, s0;
	s1 =	ssub.s32 s1, s7  }
0xb: {  	_ =	strace $0x80000047;
	s0 =	sadd.s32 s6, s0;
	s31 =	smax.u32 s1, $0x1  }
0xc: {  	s5 =	smul.u32 $0x3200, s5;
	s0 =	sadd.s32 $0xE0A00, s0;
	[dreg:$0x4] =	wrdreg s31  }
0xd: {  	s1 =	simm.s32 $0x3200;
	s6 =	simm.s32 $0x5200;
	[dreg:$0x3] =	wrdreg s0  }
.LBB2_6:
0xe: {  	s0 =	simm.s32 $0xB  }
0xf: {  	_ =	swait.ge [sflag:s0], $0x2000  }
0x10: {  	[sflag:s0] =	ssyncset.done $0x0  }
0x11: {  	s15 =	simm.s32 $0xC;
	[sflag:s0] =	ssyncadd.s32 $0xFFFFE000  }
0x12: {  	_ =	swait.ge [sflag:s15], $0x2000  }
0x13: {  	[sflag:s15] =	ssyncset.done $0x0  }
0x14: {  	s16 =	simm.s32 $0xD;
	[sflag:s15] =	ssyncadd.s32 $0xFFFFE000  }
0x15: {  	_ =	swait.ge [sflag:s16], $0x2000  }
0x16: {  	[sflag:s16] =	ssyncset.done $0x0  }
0x17: {  	s19 =	simm.s32 $0xE;
	[sflag:s16] =	ssyncadd.s32 $0xFFFFE000  }
0x18: {  	_ =	swait.ge [sflag:s19], $0x2000  }
0x19: {  	[sflag:s19] =	ssyncset.done $0x0  }
0x1a: {  	s20 =	simm.s32 $0xF;
	[sflag:s19] =	ssyncadd.s32 $0xFFFFE000  }
0x1b: {  	_ =	swait.ge [sflag:s20], $0x2000  }
0x1c: {  	[sflag:s20] =	ssyncset.done $0x0  }
0x1d: {  	s21 =	simm.s32 $0x10;
	[sflag:s20] =	ssyncadd.s32 $0xFFFFE000  }
0x1e: {  	_ =	swait.ge [sflag:s21], $0x2000  }
0x1f: {  	[sflag:s21] =	ssyncset.done $0x0  }
0x20: {  	s22 =	simm.s32 $0x11;
	[sflag:s21] =	ssyncadd.s32 $0xFFFFE000  }
0x21: {  	_ =	swait.ge [sflag:s22], $0x2000  }
0x22: {  	[sflag:s22] =	ssyncset.done $0x0  }
0x23: {  	s23 =	simm.s32 $0x12;
	[sflag:s22] =	ssyncadd.s32 $0xFFFFE000  }
0x24: {  	_ =	swait.ge [sflag:s23], $0x2000  }
0x25: {  	[sflag:s23] =	ssyncset.done $0x0  }
0x26: {  	s24 =	simm.s32 $0x13;
	[sflag:s23] =	ssyncadd.s32 $0xFFFFE000  }
0x27: {  	_ =	swait.ge [sflag:s24], $0x2000  }
0x28: {  	[sflag:s24] =	ssyncset.done $0x0  }
0x29: {  	s7 =	simm.s32 $0x14;
	[sflag:s24] =	ssyncadd.s32 $0xFFFFE000  }
0x2a: {  	_ =	swait.ge [sflag:s7], $0x2000  }
0x2b: {  	s8 =	rddreg [dreg:$0x5]  }
0x2c: {  	s31 =	rddreg [dreg:$0x4];
	s8 =	sadd.s32 $0x1, s8  }
0x2d: {  	p0 =	sne.s32 s8, s31  }
.Ltmp1:
0x2e: {  	_ = 	snop;
	(pc) =	sbr.rel @!p0 .LBB2_7-.Ltmp1, $3  }
0x2f: {  	_ =	sdelay $0x1  }
0x30: {  	[sflag:s7] =	ssyncset.done $0x0  }
0x31: {  	[sflag:s7] =	ssyncadd.s32 $0xFFFFE000  }
.LBB2_1:
0x32: {  	[dreg:$0x5] =	wrdreg s8  }
.Ltmp2:
0x33: {  	s0 =	rddreg [dreg:$0x3];
	s31 =	simm.s32 $0x15;
	(pc) =	sbr.rel .LBB2_2-.Ltmp2, $4  }
0x34: {  	[tilespmem:s3], [sflag:$0x15] =	stream.linear.gather [hbm4b:s0+s3], $0x3200, $0x38;
	[tilespmem:$0x17200] =	vst v63  }
0x35: {  	_ =	swait.ge [sflag:s31], $0x3200  }
0x36: {  	[sflag:s31] =	ssyncset.done $0x0  }
0x37: {  	s7 =	simm.s32 $0x400;
	s8 =	simm.s32 $0x0;
	[sflag:s31] =	ssyncadd.s32 $0xFFFFCE00  }
.LBB2_4:
0x38: {  	s0 =	simm.s32 $0xB  }
0x39: {  	_ =	swait.ge [sflag:s0], $0x2000  }
0x3a: {  	[sflag:s0] =	ssyncset.done $0x0  }
0x3b: {  	s21 =	simm.s32 $0xC;
	[sflag:s0] =	ssyncadd.s32 $0xFFFFE000  }
0x3c: {  	[tilespmem:s1], [sflag:$0x1] =	stream.indirect.gather [hbm4b:s4+s18], $0x40, s8, s18, $0xb8;
	[tilespmem:$0x17200] =	vst v63  }
0x3d: {  	_ =	swait.ge [sflag:s21], $0x2000  }
0x3e: {  	[sflag:s21] =	ssyncset.done $0x0  }
0x3f: {  	s22 =	sadd.s32 $0x80, s8;
	s23 =	simm.s32 $0xD;
	[sflag:s21] =	ssyncadd.s32 $0xFFFFE000  }
0x40: {  	[tilespmem:s6], [sflag:$0x2] =	stream.indirect.gather [hbm4b:s4+s18], $0x40, s22, s18, $0xb8;
	[tilespmem:$0x17200] =	vst v63  }
0x41: {  	_ =	swait.ge [sflag:s23], $0x2000  }
0x42: {  	[sflag:s23] =	ssyncset.done $0x0  }
0x43: {  	s24 =	sadd.s32 $0x100, s8;
	s31 =	simm.s32 $0xE;
	[sflag:s23] =	ssyncadd.s32 $0xFFFFE000  }
0x44: {  	[tilespmem:s9], [sflag:$0x3] =	stream.indirect.gather [hbm4b:s4+s18], $0x40, s24, s18, $0xb8;
	[tilespmem:$0x17200] =	vst v63  }
0x45: {  	_ =	swait.ge [sflag:s31], $0x2000  }
0x46: {  	[sflag:s31] =	ssyncset.done $0x0  }
0x47: {  	s1 =	sadd.s32 $0x180, s8;
	s6 =	simm.s32 $0xF;
	[sflag:s31] =	ssyncadd.s32 $0xFFFFE000  }
0x48: {  	[tilespmem:s10], [sflag:$0x4] =	stream.indirect.gather [hbm4b:s4+s18], $0x40, s1, s18, $0xb8;
	[tilespmem:$0x17200] =	vst v63  }
0x49: {  	_ =	swait.ge [sflag:s6], $0x2000  }
0x4a: {  	[sflag:s6] =	ssyncset.done $0x0  }
0x4b: {  	s9 =	sadd.s32 $0x200, s8;
	s10 =	simm.s32 $0x10;
	[sflag:s6] =	ssyncadd.s32 $0xFFFFE000  }
0x4c: {  	[tilespmem:s11], [sflag:$0x5] =	stream.indirect.gather [hbm4b:s4+s18], $0x40, s9, s18, $0xb8;
	[tilespmem:$0x17200] =	vst v63  }
0x4d: {  	_ =	swait.ge [sflag:s10], $0x2000  }
0x4e: {  	[sflag:s10] =	ssyncset.done $0x0  }
0x4f: {  	s15 =	simm.s32 $0x11;
	s11 =	sadd.s32 $0x280, s8;
	[sflag:s10] =	ssyncadd.s32 $0xFFFFE000  }
0x50: {  	[tilespmem:s12], [sflag:$0x6] =	stream.indirect.gather [hbm4b:s4+s18], $0x40, s11, s18, $0xb8;
	[tilespmem:$0x17200] =	vst v63  }
0x51: {  	s16 =	sadd.s32 $0x300, s8;
	s19 =	simm.s32 $0x12;
	_ =	swait.ge [sflag:s15], $0x2000  }
0x52: {  	s20 =	sadd.s32 $0x380, s8;
	s0 =	sadd.s32 $0xFFFFFF80, s7;
	[sflag:s15] =	ssyncset.done $0x0  }
0x53: {  	s21 =	simm.s32 $0x13;
	s22 =	simm.s32 $0xF200;
	[sflag:s15] =	ssyncadd.s32 $0xFFFFE000  }
0x54: {  	[tilespmem:s13], [sflag:$0x7] =	stream.indirect.gather [hbm4b:s4+s18], $0x40, s16, s18, $0xb8;
	[tilespmem:$0x17200] =	vst v63  }
0x55: {  	s23 =	simm.s32 $0x11200;
	s24 =	sadd.s32 $0x400, s8;
	_ =	swait.ge [sflag:s19], $0x2000  }
0x56: {  	s31 =	simm.s32 $0x14;
	s1 =	smov.u32 s7;
	[sflag:s19] =	ssyncset.done $0x0  }
0x57: {  	s6 =	sadd.s32 $0xFFFFFF00, s7;
	s9 =	sadd.s32 $0xFFFFFE80, s7;
	[sflag:s19] =	ssyncadd.s32 $0xFFFFE000  }
0x58: {  	[tilespmem:s14], [sflag:$0x8] =	stream.indirect.gather [hbm4b:s4+s18], $0x40, s20, s18, $0xb8;
	[tilespmem:$0x17200] =	vst v63  }
0x59: {  	s10 =	sadd.s32 $0xFFFFFE00, s7;
	s12 =	sadd.s32 $0xFFFFFD00, s7;
	_ =	swait.ge [sflag:s21], $0x2000  }
0x5a: {  	s11 =	sadd.s32 $0xFFFFFD80, s7;
	s15 =	simm.s32 $0x3200;
	[sflag:s21] =	ssyncset.done $0x0  }
0x5b: {  	s16 =	simm.s32 $0x5200;
	s13 =	sadd.s32 $0xFFFFFC80, s7;
	[sflag:s21] =	ssyncadd.s32 $0xFFFFE000  }
0x5c: {  	[tilespmem:s17], [sflag:$0x9] =	stream.indirect.gather [hbm4b:s4+s18], $0x40, s24, s18, $0xb8;
	[tilespmem:$0x17200] =	vst v63  }
0x5d: {  	s19 =	simm.s32 $0x9200;
	s14 =	sadd.s32 $0xFFFFFC00, s7;
	_ =	swait.ge [sflag:s31], $0x2000  }
0x5e: {  	s20 =	simm.s32 $0xB200;
	s21 =	simm.s32 $0xD200;
	[sflag:s31] =	ssyncset.done $0x0  }
0x5f: {  	s24 =	simm.s32 $0x13200;
	s17 =	simm.s32 $0x7200;
	[sflag:s31] =	ssyncadd.s32 $0xFFFFE000  }
.LBB2_5:
0x60: {  	s31 =	sadd.s32 $0x480, s14;
	s14 =	sadd.s32 s5, s14  }
0x61: {  	[tilespmem:s25], [sflag:$0xA] =	stream.indirect.gather [hbm4b:s4+s18], $0x40, s31, s18, $0xb8;
	[tilespmem:$0x17200] =	vst v63  }
0x62: {  	s14 =	sshll.u32 s14, $0x3;
	_ =	swait.ge [sflag:s26], $0x2000  }
0x63: {  	s14 =	sand.u32 $0x1FFFF800, s14;
	[sflag:s26] =	ssyncset.done $0x0  }
0x64: {  	s14 =	sadd.s32 s2, s14;
	[sflag:s26] =	ssyncadd.s32 $0xFFFFE000  }
0x65: {  	[hbm4b:s14+s3] =	stream.linear.scatter [tilespmem:s15], [sflag:$0xB], $0x2000, $0x38;
	[tilespmem:$0x17200] =	vst v63  }
0x66: {  	s13 =	sadd.s32 s5, s13;
	s15 =	simm.s32 $0x2  }
0x67: {  	s13 =	sshll.u32 s13, $0x3;
	_ =	swait.ge [sflag:s15], $0x2000  }
0x68: {  	s13 =	sand.u32 $0x1FFFFC00, s13;
	[sflag:s15] =	ssyncset.done $0x0  }
0x69: {  	s13 =	sadd.s32 s2, s13;
	[sflag:s15] =	ssyncadd.s32 $0xFFFFE000  }
0x6a: {  	[hbm4b:s13+s3] =	stream.linear.scatter [tilespmem:s16], [sflag:$0xC], $0x2000, $0x38;
	[tilespmem:$0x17200] =	vst v63  }
0x6b: {  	s12 =	sadd.s32 s5, s12;
	s16 =	simm.s32 $0x3  }
0x6c: {  	s12 =	sshll.u32 s12, $0x3;
	_ =	swait.ge [sflag:s16], $0x2000  }
0x6d: {  	s12 =	sand.u32 $0x1FFFF800, s12;
	[sflag:s16] =	ssyncset.done $0x0  }
0x6e: {  	s12 =	sadd.s32 s2, s12;
	[sflag:s16] =	ssyncadd.s32 $0xFFFFE000  }
0x6f: {  	[hbm4b:s12+s3] =	stream.linear.scatter [tilespmem:s17], [sflag:$0xD], $0x2000, $0x38;
	[tilespmem:$0x17200] =	vst v63  }
0x70: {  	s11 =	sadd.s32 s5, s11;
	s17 =	simm.s32 $0x4  }
0x71: {  	s11 =	sshll.u32 s11, $0x3;
	_ =	swait.ge [sflag:s17], $0x2000  }
0x72: {  	s11 =	sand.u32 $0x1FFFFC00, s11;
	[sflag:s17] =	ssyncset.done $0x0  }
0x73: {  	s11 =	sadd.s32 s2, s11;
	[sflag:s17] =	ssyncadd.s32 $0xFFFFE000  }
0x74: {  	[hbm4b:s11+s3] =	stream.linear.scatter [tilespmem:s19], [sflag:$0xE], $0x2000, $0x38;
	[tilespmem:$0x17200] =	vst v63  }
0x75: {  	s10 =	sadd.s32 s5, s10;
	s19 =	simm.s32 $0x5  }
0x76: {  	s10 =	sshll.u32 s10, $0x3;
	_ =	swait.ge [sflag:s19], $0x2000  }
0x77: {  	s10 =	sand.u32 $0x1FFFF800, s10;
	[sflag:s19] =	ssyncset.done $0x0  }
0x78: {  	s10 =	sadd.s32 s2, s10;
	[sflag:s19] =	ssyncadd.s32 $0xFFFFE000  }
0x79: {  	[hbm4b:s10+s3] =	stream.linear.scatter [tilespmem:s20], [sflag:$0xF], $0x2000, $0x38;
	[tilespmem:$0x17200] =	vst v63  }
0x7a: {  	s9 =	sadd.s32 s5, s9;
	s20 =	simm.s32 $0x6  }
0x7b: {  	s9 =	sshll.u32 s9, $0x3;
	_ =	swait.ge [sflag:s20], $0x2000  }
0x7c: {  	s9 =	sand.u32 $0x1FFFFC00, s9;
	[sflag:s20] =	ssyncset.done $0x0  }
0x7d: {  	s9 =	sadd.s32 s2, s9;
	[sflag:s20] =	ssyncadd.s32 $0xFFFFE000  }
0x7e: {  	[hbm4b:s9+s3] =	stream.linear.scatter [tilespmem:s21], [sflag:$0x10], $0x2000, $0x38;
	[tilespmem:$0x17200] =	vst v63  }
0x7f: {  	s6 =	sadd.s32 s5, s6;
	s21 =	simm.s32 $0x7  }
0x80: {  	s6 =	sshll.u32 s6, $0x3;
	_ =	swait.ge [sflag:s21], $0x2000  }
0x81: {  	s6 =	sand.u32 $0x1FFFF800, s6;
	[sflag:s21] =	ssyncset.done $0x0  }
0x82: {  	s0 =	sadd.s32 s5, s0;
	s6 =	sadd.s32 s2, s6;
	[sflag:s21] =	ssyncadd.s32 $0xFFFFE000  }
0x83: {  	[hbm4b:s6+s3] =	stream.linear.scatter [tilespmem:s22], [sflag:$0x11], $0x2000, $0x38;
	[tilespmem:$0x17200] =	vst v63  }
0x84: {  	s7 =	sadd.s32 $0x500, s7;
	s0 =	sshll.u32 s0, $0x3;
	_ =	swait.ge [sflag:s28], $0x2000  }
0x85: {  	s8 =	sadd.s32 $0x500, s8;
	s0 =	sand.u32 $0x1FFFFC00, s0;
	[sflag:s28] =	ssyncset.done $0x0  }
0x86: {  	s31 =	sadd.s32 s5, s31;
	s0 =	sadd.s32 s2, s0;
	[sflag:s28] =	ssyncadd.s32 $0xFFFFE000  }
0x87: {  	[hbm4b:s0+s3] =	stream.linear.scatter [tilespmem:s23], [sflag:$0x12], $0x2000, $0x38;
	[tilespmem:$0x17200] =	vst v63  }
0x88: {  	p0 =	sne.s32 s7, $0x3600;
	s14 =	simm.s32 $0x11200;
	s23 =	sadd.s32 s5, s1  }
0x89: {  	s13 =	simm.s32 $0xF200;
	_ =	swait.ge [sflag:s29], $0x2000;
	s0 =	sshll.u32 s23, $0x3  }
0x8a: {  	s12 =	simm.s32 $0xD200;
	[sflag:s29] =	ssyncset.done $0x0;
	s0 =	sand.u32 $0x1FFFF800, s0  }
0x8b: {  	s17 =	simm.s32 $0x13200;
	[sflag:s29] =	ssyncadd.s32 $0xFFFFE000;
	s0 =	sadd.s32 s2, s0  }
0x8c: {  	[hbm4b:s0+s3] =	stream.linear.scatter [tilespmem:s24], [sflag:$0x13], $0x2000, $0x38;
	[tilespmem:$0x17200] =	vst v63  }
.Ltmp3:
0x8d: {  	s11 =	simm.s32 $0xB200;
	s10 =	simm.s32 $0x9200;
	(pc) =	sbr.rel @!p0 .LBB2_6-.Ltmp3, $4  }
0x8e: {  	s9 =	simm.s32 $0x7200;
	s0 =	sshll.u32 s31, $0x3;
	_ =	swait.ge [sflag:s30], $0x2000  }
0x8f: {  	s6 =	simm.s32 $0x5200;
	s0 =	sand.u32 $0x1FFFFC00, s0;
	[sflag:s30] =	ssyncset.done $0x0  }
0x90: {  	s1 =	simm.s32 $0x3200;
	s0 =	sadd.s32 s2, s0;
	[sflag:s30] =	ssyncadd.s32 $0xFFFFE000  }
0x91: {  	[hbm4b:s0+s3] =	stream.linear.scatter [tilespmem:s25], [sflag:$0x14], $0x2000, $0x38;
	[tilespmem:$0x17200] =	vst v63  }
.LBB2_2:
0x92: {  	p0 =	sne.s32 s7, $0x400  }
.Ltmp4:
0x93: {  	_ = 	snop;
	(pc) =	sbr.rel @p0 .LBB2_4-.Ltmp4, $1  }
0x94: {  	_ =	sdelay $0x3  }
0x95: {  	s13 =	simm.s32 $0x80;
	s15 =	simm.s32 $0x3200;
	s14 =	simm.s32 $0x0  }
0x96: {  	[tilespmem:s15], [sflag:$0x1] =	stream.indirect.gather [hbm4b:s4+s13], $0x40, s14, s13, $0xb8;
	[tilespmem:$0x17200] =	vst v63  }
0x97: {  	s16 =	simm.s32 $0x5200  }
0x98: {  	[tilespmem:s16], [sflag:$0x2] =	stream.indirect.gather [hbm4b:s4+s13], $0x40, s13, s13, $0xb8;
	[tilespmem:$0x17200] =	vst v63  }
0x99: {  	s17 =	simm.s32 $0x7200;
	s12 =	simm.s32 $0x100  }
0x9a: {  	[tilespmem:s17], [sflag:$0x3] =	stream.indirect.gather [hbm4b:s4+s13], $0x40, s12, s13, $0xb8;
	[tilespmem:$0x17200] =	vst v63  }
0x9b: {  	s19 =	simm.s32 $0x9200;
	s11 =	simm.s32 $0x180  }
0x9c: {  	[tilespmem:s19], [sflag:$0x4] =	stream.indirect.gather [hbm4b:s4+s13], $0x40, s11, s13, $0xb8;
	[tilespmem:$0x17200] =	vst v63  }
0x9d: {  	s20 =	simm.s32 $0xB200;
	s10 =	simm.s32 $0x200  }
0x9e: {  	[tilespmem:s20], [sflag:$0x5] =	stream.indirect.gather [hbm4b:s4+s13], $0x40, s10, s13, $0xb8;
	[tilespmem:$0x17200] =	vst v63  }
0x9f: {  	s21 =	simm.s32 $0xD200;
	s9 =	simm.s32 $0x280  }
0xa0: {  	[tilespmem:s21], [sflag:$0x6] =	stream.indirect.gather [hbm4b:s4+s13], $0x40, s9, s13, $0xb8;
	[tilespmem:$0x17200] =	vst v63  }
0xa1: {  	s22 =	simm.s32 $0xF200;
	s6 =	simm.s32 $0x300  }
0xa2: {  	[tilespmem:s22], [sflag:$0x7] =	stream.indirect.gather [hbm4b:s4+s13], $0x40, s6, s13, $0xb8;
	[tilespmem:$0x17200] =	vst v63  }
.Ltmp5:
0xa3: {  	_ = 	snop;
	(pc) =	sbr.rel .LBB2_5-.Ltmp5, $4  }
0xa4: {  	s23 =	simm.s32 $0x11200;
	s0 =	simm.s32 $0x380  }
0xa5: {  	[tilespmem:s23], [sflag:$0x8] =	stream.indirect.gather [hbm4b:s4+s13], $0x40, s0, s13, $0xb8;
	[tilespmem:$0x17200] =	vst v63  }
0xa6: {  	s24 =	simm.s32 $0x13200;
	s1 =	simm.s32 $0x400  }
0xa7: {  	[tilespmem:s24], [sflag:$0x9] =	stream.indirect.gather [hbm4b:s4+s13], $0x40, s1, s13, $0xb8;
	[tilespmem:$0x17200] =	vst v63  }
.LBB2_7:
0xa8: {  	_ =	sfence.sel $0x180000  }
0xa9: {  	[bflag:$0x0] =	sbarrier.arrive $0xFFFF  }
0xaa: {  	_ =	strace $0x90000047  }
0xab: {  	s0 =	stileid.u32;
	[bflag:$0x2] =	sbarrier.arrive $0xFFFF  }
0xac: {  	p0 =	sne.s32 s0, $0x0;
	s0 =	rddreg [dreg:$0x2]  }
0xad: {  	s0 =	sadd.s32 @!p0 $0x100000, s0  }
0xae: {  	[sflag:s0] =	ssyncadd.tile.s32 @!p0 $0x1;
	_ =	shalt  }
.Lfunc_end2:
_tile_overlayer_lowered:
.L_overlay_start_2:
0xaf: {  	(tag) =	ssettag $0x2  }
0xb0: {  	s0 =	rddreg [dreg:$0x0];
	s2 =	stileid.u32  }
0xb1: {  	s1 =	rddreg [dreg:$0x1];
	p0 =	sne.s32 s2, $0x0  }
0xb2: {  	s3 =	rddreg [dreg:$0x2];
	[bflag:$0x3] =	sbarrier.arrive $0xFFFF;
	s2 =	simm.s32 @!p0 $0x1C15  }
0xb3: {  	[timem:s3], [sflag:s2] =	dma.local @!p0 [hbm:s0], s1  }
0xb4: {  	s0 =	simm.s32 @!p0 $0x15  }
0xb5: {  	_ =	swait.ge @!p0 [sflag:s0], s1  }
0xb6: {  	s1 =	ssub.s32 @!p0 $0x0, s1;
	[sflag:s0] =	ssyncset.done @!p0 $0x0  }
0xb7: {  	[sflag:s0] =	ssyncadd.s32 @!p0 s1  }
0xb8: {  	[bflag:$0x3] =	sbarrier.arrive $0xFFFF  }
0xb9: {  	_ =	shalt  }

</sc_bundles>
